<compile_context>
chip_gen: v7x
topology: tpu7x:2x2x1
jax: 0.10.2.dev20260603
libtpu: 0.0.44.dev20260713+nightly
codegen_flags: <defaults>
</compile_context>

<pallas_src>
import functools

import jax
import jax.numpy as jnp
from jax import lax
from jax.experimental import pallas as pl
from jax.experimental.pallas import tpu as pltpu
from jax.experimental.pallas import tpu_sc as plsc

NC = 2
NS = 16
NW = NC * NS
L = 16
H = 768
HC = H // L
R = 32
NBX = 3
NBY = 2
EPS = 1e-12


def _rsqrt(v):
    i = plsc.bitcast(v, jnp.int32)
    y = plsc.bitcast(jnp.int32(0x5F3759DF) - (i >> 1), jnp.float32)
    for _ in range(3):
        y = y * (1.5 - 0.5 * v * y * y)
    return y


def _make_kernel(n_rows):
    rows_per_w = n_rows // NW
    chunks = rows_per_w // R
    mesh = plsc.VectorSubcoreMesh(
        core_axis_name="c", subcore_axis_name="s",
        num_cores=NC, num_subcores=NS)

    @functools.partial(
        pl.kernel,
        out_type=jax.ShapeDtypeStruct((n_rows, H), jnp.float32),
        mesh=mesh,
        compiler_params=pltpu.CompilerParams(needs_layout_passes=False),
        scratch_types=[
            pltpu.VMEM((rows_per_w,), jnp.int32),
            pltpu.VMEM((NBX, R, H), jnp.float32),
            pltpu.VMEM((NBY, R, H), jnp.float32),
            pltpu.VMEM((R * L,), jnp.float32),
            pltpu.VMEM((R * L,), jnp.float32),
            pltpu.SMEM((R,), jnp.float32),
            pltpu.SMEM((R,), jnp.float32),
            pltpu.VMEM((H,), jnp.float32),
            pltpu.VMEM((H,), jnp.float32),
            pltpu.SemaphoreType.DMA((NBX,)),
            pltpu.SemaphoreType.DMA((NBY,)),
            pltpu.SemaphoreType.DMA((NBX,)),
            pltpu.SemaphoreType.DMA,
        ],
    )
    def kern(emb_hbm, ids_hbm, tab_hbm, gam_hbm, bet_hbm, out_hbm,
             ids_v, x_v, y_v, sp_v, sq_v, a_sm, d_sm, g_v, b_v,
             sem_g, sem_e, sem_o, sem_i):
        wid = lax.axis_index("s") * NC + lax.axis_index("c")
        wbase = wid * rows_per_w
        pltpu.sync_copy(gam_hbm, g_v)
        pltpu.sync_copy(bet_hbm, b_v)
        pltpu.async_copy(ids_hbm.at[pl.ds(wbase, rows_per_w)], ids_v,
                         sem_i).wait()

        def start_loads(c, bx, by):
            idx = ids_v.at[pl.ds(c * R, R)]
            pltpu.async_copy(tab_hbm.at[idx], x_v.at[bx], sem_g.at[bx])
            pltpu.async_copy(emb_hbm.at[pl.ds(wbase + c * R, R)],
                             y_v.at[by], sem_e.at[by])

        start_loads(0, 0, 0)

        def chunk_body(c, _):
            bx = lax.rem(c, NBX)
            by = lax.rem(c, NBY)

            idx = ids_v.at[pl.ds(c * R, R)]
            pltpu.make_async_copy(tab_hbm.at[idx], x_v.at[bx],
                                  sem_g.at[bx]).wait()
            pltpu.make_async_copy(emb_hbm.at[pl.ds(wbase + c * R, R)],
                                  y_v.at[by], sem_e.at[by]).wait()

            @pl.when(c + 1 < chunks)
            def _():
                nbx = lax.rem(c + 1, NBX)
                nby = lax.rem(c + 1, NBY)
                pltpu.async_copy(
                    emb_hbm.at[pl.ds(wbase + (c + 1) * R, R)],
                    y_v.at[nby], sem_e.at[nby])
                @pl.when(c >= 2)
                def _():
                    pltpu.make_async_copy(
                        x_v.at[nbx],
                        out_hbm.at[pl.ds(wbase + (c - 2) * R, R)],
                        sem_o.at[nbx]).wait()
                pltpu.async_copy(tab_hbm.at[ids_v.at[pl.ds((c + 1) * R, R)]],
                                 x_v.at[nbx], sem_g.at[nbx])

            RI = 4
            def row_body(q, _):
                r0 = q * RI
                def h_body(h, carry):
                    sl = pl.ds(h * L, L)
                    out = []
                    for i in range(RI):
                        s, ss = carry[2 * i], carry[2 * i + 1]
                        x = x_v[bx, r0 + i, sl] + y_v[by, r0 + i, sl]
                        x_v[bx, r0 + i, sl] = x
                        out += [s + x, ss + x * x]
                    return tuple(out)
                z = jnp.zeros((L,), jnp.float32)
                acc = plsc.parallel_loop(
                    0, HC, 1, unroll=4, carry=(z,) * (2 * RI))(h_body)
                for i in range(RI):
                    sp_v[pl.ds((r0 + i) * L, L)] = acc[2 * i]
                    sq_v[pl.ds((r0 + i) * L, L)] = acc[2 * i + 1]
                return 0
            lax.fori_loop(0, R // RI, row_body, 0)

            for k in range(R // L):
                rows16 = (lax.iota(jnp.int32, L) + k * L) * L
                s = jnp.zeros((L,), jnp.float32)
                ss = jnp.zeros((L,), jnp.float32)
                for j in range(L):
                    fidx = rows16 + j
                    s = s + plsc.load_gather(sp_v, [fidx])
                    ss = ss + plsc.load_gather(sq_v, [fidx])
                mean = s * (1.0 / H)
                var = ss * (1.0 / H) - mean * mean
                rstd = _rsqrt(var + EPS)
                nmr = -mean * rstd
                for j in range(L):
                    a_sm[k * L + j] = rstd[j]
                    d_sm[k * L + j] = nmr[j]

            def hb(h, _):
                sl = pl.ds(h * L, L)
                g = g_v[sl]
                b = b_v[sl]
                def rb(r):
                    x = x_v[bx, r, sl]
                    x_v[bx, r, sl] = (x * a_sm[r] + d_sm[r]) * g + b
                plsc.parallel_loop(0, R, 1, unroll=8)(rb)
                return 0
            lax.fori_loop(0, HC, hb, 0)

            pltpu.async_copy(x_v.at[bx],
                             out_hbm.at[pl.ds(wbase + c * R, R)],
                             sem_o.at[bx])
            return 0

        lax.fori_loop(0, chunks, chunk_body, 0)

        for j in range(NBX):
            pltpu.make_async_copy(x_v.at[j], out_hbm.at[pl.ds(wbase, R)],
                                  sem_o.at[j]).wait()

    return kern


def kernel(inputs_embeds, position_ids, pos_table, ln_gamma, ln_beta):
    b, s, h = inputs_embeds.shape
    n = b * s
    emb = inputs_embeds.reshape(n, h)
    ids = position_ids.reshape(n).astype(jnp.int32)
    out = _make_kernel(n)(emb, ids, pos_table,
                          ln_gamma.astype(jnp.float32),
                          ln_beta.astype(jnp.float32))
    return out.reshape(b, s, h)

# --- scband reference (transcript-rebuilt; emitter-appended) ---
"""Pipeline reference for scband-mini-bert-embeddings-10411000726016 (READ-ONLY COPY).

The authoritative reference and input builder live on the scoring server;
editing this copy changes nothing except your own understanding.
"""

import jax, jax.numpy as jnp
import numpy as np

MAX_POS = 8192
HIDDEN = 768
BATCH = 4
SEQ = 8192
EPS = 1e-12

def setup_inputs(seed: int = 0) -> dict:
    key = jax.random.key(seed)
    k1, k2, k3 = jax.random.split(key, 3)
    inputs_embeds = jax.random.normal(k1, (BATCH, SEQ, HIDDEN), dtype=jnp.float32)
    position_ids = jax.random.randint(k2, (BATCH, SEQ), 0, MAX_POS, dtype=jnp.int64 if jax.config.jax_enable_x64 else jnp.int32).astype(jnp.int32)
    pos_table = jax.random.normal(k3, (MAX_POS, HIDDEN), dtype=jnp.float32) * 0.02
    ln_gamma = jnp.ones((HIDDEN,), dtype=jnp.float32)
    ln_beta = jnp.zeros((HIDDEN,), dtype=jnp.float32)
    return {"inputs_embeds": inputs_embeds, "position_ids": position_ids,
            "pos_table": pos_table, "ln_gamma": ln_gamma, "ln_beta": ln_beta}

def _layer_norm(x, gamma, beta, eps):
    mean = jnp.mean(x, axis=-1, keepdims=True)
    var = jnp.mean(jnp.square(x - mean), axis=-1, keepdims=True)
    xhat = (x - mean) / jnp.sqrt(var + eps)
    return xhat * gamma + beta

def reference(inputs_embeds, position_ids, pos_table, ln_gamma, ln_beta):
    # embedding lookup for positions (gather)
    pos_emb = jnp.take(pos_table, position_ids, axis=0)  # [B, S, H]
    embeddings = inputs_embeds + pos_emb
    embeddings = _layer_norm(embeddings, ln_gamma, ln_beta, EPS)
    # dropout prob = 0.0 (eval / identity)
    return embeddings

if __name__ == "__main__":
    import jax
    _d = setup_inputs()
    print(jax.jit(kernel)(*tuple(_d.values())))

</pallas_src>

<mosaic_0001>
#map = affine_map<(d0, d1) -> (0, 0)>
#map1 = affine_map<(d0, d1) -> (0)>
module attributes {stable_mosaic.version = 14 : i64} {
  func.func @kern(%arg0: i32, %arg1: i32, %arg2: memref<32768x768xf32, #tpu.memory_space<hbm>>, %arg3: memref<32768xi32, #tpu.memory_space<hbm>>, %arg4: memref<8192x768xf32, #tpu.memory_space<hbm>>, %arg5: memref<768xf32, #tpu.memory_space<hbm>>, %arg6: memref<768xf32, #tpu.memory_space<hbm>>, %arg7: memref<32768x768xf32, #tpu.memory_space<hbm>>, %arg8: memref<1024xi32, #tpu.memory_space<vmem>>, %arg9: memref<3x32x768xf32, #tpu.memory_space<vmem>>, %arg10: memref<2x32x768xf32, #tpu.memory_space<vmem>>, %arg11: memref<512xf32, #tpu.memory_space<vmem>>, %arg12: memref<512xf32, #tpu.memory_space<vmem>>, %arg13: memref<32xf32, #tpu.memory_space<smem>>, %arg14: memref<32xf32, #tpu.memory_space<smem>>, %arg15: memref<768xf32, #tpu.memory_space<vmem>>, %arg16: memref<768xf32, #tpu.memory_space<vmem>>, %arg17: memref<3x!tpu.dma_semaphore, #tpu.memory_space<semaphore_mem>>, %arg18: memref<2x!tpu.dma_semaphore, #tpu.memory_space<semaphore_mem>>, %arg19: memref<3x!tpu.dma_semaphore, #tpu.memory_space<semaphore_mem>>, %arg20: memref<!tpu.dma_semaphore, #tpu.memory_space<semaphore_mem>>) attributes {dimension_semantics = [#tpu.dimension_semantics<core_parallel>, #tpu.dimension_semantics<subcore_parallel>], iteration_bounds = array<i64: 2, 16>, scalar_prefetch = 0 : i64, scratch_operands = 13 : i64, tpu.core_type = #tpu.core_type<sc_vector_subcore>, window_params = [{transform_indices = #map}, {transform_indices = #map1}, {transform_indices = #map}, {transform_indices = #map1}, {transform_indices = #map1}, {transform_indices = #map}]} {
    %mul3A = arith.constant 2 : i32
    %mul3A_0 = arith.muli %arg1, %mul3A : i32
    %add3A = arith.addi %mul3A_0, %arg0 : i32
    %mul3A_1 = arith.constant 1024 : i32
    %mul3A_2 = arith.muli %add3A, %mul3A_1 : i32
    "tpu.region"() ({
      %run_scoped3A = tpu.sem_alloc : memref<!tpu.dma_semaphore, #tpu.memory_space<semaphore_mem>>
      tpu.enqueue_dma source(%arg5 : memref<768xf32, #tpu.memory_space<hbm>>) target(%arg15 : memref<768xf32, #tpu.memory_space<vmem>>) target_semaphore(%run_scoped3A : memref<!tpu.dma_semaphore, #tpu.memory_space<semaphore_mem>>)
      tpu.wait_dma2 semaphore(%run_scoped3A : memref<!tpu.dma_semaphore, #tpu.memory_space<semaphore_mem>>) src(%arg5 : memref<768xf32, #tpu.memory_space<hbm>>) dst(%arg15 : memref<768xf32, #tpu.memory_space<vmem>>)
      tpu.yield
    }) : () -> ()
    "tpu.region"() ({
      %run_scoped3A = tpu.sem_alloc : memref<!tpu.dma_semaphore, #tpu.memory_space<semaphore_mem>>
      tpu.enqueue_dma source(%arg6 : memref<768xf32, #tpu.memory_space<hbm>>) target(%arg16 : memref<768xf32, #tpu.memory_space<vmem>>) target_semaphore(%run_scoped3A : memref<!tpu.dma_semaphore, #tpu.memory_space<semaphore_mem>>)
      tpu.wait_dma2 semaphore(%run_scoped3A : memref<!tpu.dma_semaphore, #tpu.memory_space<semaphore_mem>>) src(%arg6 : memref<768xf32, #tpu.memory_space<hbm>>) dst(%arg16 : memref<768xf32, #tpu.memory_space<vmem>>)
      tpu.yield
    }) : () -> ()
    %dma_start3A = tpu.memref_slice %arg3[%mul3A_2] : memref<32768xi32, #tpu.memory_space<hbm>> -> memref<1024xi32, #tpu.memory_space<hbm>>
    %dma_start3A_3 = tpu.memref_slice %arg3[%mul3A_2] : memref<32768xi32, #tpu.memory_space<hbm>> -> memref<1024xi32, #tpu.memory_space<hbm>>
    tpu.enqueue_dma source(%dma_start3A_3 : memref<1024xi32, #tpu.memory_space<hbm>>) target(%arg8 : memref<1024xi32, #tpu.memory_space<vmem>>) target_semaphore(%arg20 : memref<!tpu.dma_semaphore, #tpu.memory_space<semaphore_mem>>)
    %dma_wait3A = tpu.memref_slice %arg3[%mul3A_2] : memref<32768xi32, #tpu.memory_space<hbm>> -> memref<1024xi32, #tpu.memory_space<hbm>>
    %dma_wait3A_4 = tpu.memref_slice %arg3[%mul3A_2] : memref<32768xi32, #tpu.memory_space<hbm>> -> memref<1024xi32, #tpu.memory_space<hbm>>
    tpu.wait_dma2 semaphore(%arg20 : memref<!tpu.dma_semaphore, #tpu.memory_space<semaphore_mem>>) src(%dma_wait3A_4 : memref<1024xi32, #tpu.memory_space<hbm>>) dst(%arg8 : memref<1024xi32, #tpu.memory_space<vmem>>)
    %dma_start3A_5 = arith.constant 0 : i32
    %dma_start3A_6 = arith.constant 0 : i32
    %dma_start3A_7 = arith.constant 0 : i32
    %dma_start3A_8 = arith.constant 0 : i32
    %dma_start3A_9 = tpu.memref_slice %arg9[%dma_start3A_5, %dma_start3A_7, %dma_start3A_8] : memref<3x32x768xf32, #tpu.memory_space<vmem>> -> memref<1x32x768xf32, #tpu.memory_space<vmem>>
    %dma_start3A_10 = tpu.memref_squeeze %dma_start3A_9 : memref<1x32x768xf32, #tpu.memory_space<vmem>> -> memref<32x768xf32, #tpu.memory_space<vmem>>
    %dma_start3A_11 = arith.constant 0 : i32
    %dma_start3A_12 = tpu.memref_slice %arg8[%dma_start3A_11] : memref<1024xi32, #tpu.memory_space<vmem>> -> memref<32xi32, #tpu.memory_space<vmem>>
    %dma_start3A_13 = arith.constant 0 : i32
    %dma_start3A_14 = arith.constant 0 : i32
    %dma_start3A_15 = tpu.memref_slice %arg4[%dma_start3A_13, %dma_start3A_14] : memref<8192x768xf32, #tpu.memory_space<hbm>> -> memref<8192x768xf32, #tpu.memory_space<hbm>>
    %dma_start3A_16 = tpu.memref_slice %arg17[%dma_start3A_6] : memref<3x!tpu.dma_semaphore, #tpu.memory_space<semaphore_mem>> -> memref<1x!tpu.dma_semaphore, #tpu.memory_space<semaphore_mem>>
    %dma_start3A_17 = tpu.memref_squeeze %dma_start3A_16 : memref<1x!tpu.dma_semaphore, #tpu.memory_space<semaphore_mem>> -> memref<!tpu.dma_semaphore, #tpu.memory_space<semaphore_mem>>
    tpu.enqueue_indirect_dma source(%dma_start3A_15 : memref<8192x768xf32, #tpu.memory_space<hbm>>) target(%dma_start3A_10 : memref<32x768xf32, #tpu.memory_space<vmem>>) offsets(%dma_start3A_12 : memref<32xi32, #tpu.memory_space<vmem>>) semaphore(%dma_start3A_17 : memref<!tpu.dma_semaphore, #tpu.memory_space<semaphore_mem>>)
    %add3A_18 = arith.constant 0 : i32
    %add3A_19 = arith.addi %mul3A_2, %add3A_18 : i32
    %dma_start3A_20 = arith.constant 0 : i32
    %dma_start3A_21 = arith.constant 0 : i32
    %dma_start3A_22 = arith.constant 0 : i32
    %dma_start3A_23 = arith.constant 0 : i32
    %dma_start3A_24 = tpu.memref_slice %arg10[%dma_start3A_20, %dma_start3A_22, %dma_start3A_23] : memref<2x32x768xf32, #tpu.memory_space<vmem>> -> memref<1x32x768xf32, #tpu.memory_space<vmem>>
    %dma_start3A_25 = tpu.memref_squeeze %dma_start3A_24 : memref<1x32x768xf32, #tpu.memory_space<vmem>> -> memref<32x768xf32, #tpu.memory_space<vmem>>
    %dma_start3A_26 = arith.constant 0 : i32
    %dma_start3A_27 = tpu.memref_slice %arg2[%add3A_19, %dma_start3A_26] : memref<32768x768xf32, #tpu.memory_space<hbm>> -> memref<32x768xf32, #tpu.memory_space<hbm>>
    %dma_start3A_28 = tpu.memref_slice %arg18[%dma_start3A_21] : memref<2x!tpu.dma_semaphore, #tpu.memory_space<semaphore_mem>> -> memref<1x!tpu.dma_semaphore, #tpu.memory_space<semaphore_mem>>
    %dma_start3A_29 = tpu.memref_squeeze %dma_start3A_28 : memref<1x!tpu.dma_semaphore, #tpu.memory_space<semaphore_mem>> -> memref<!tpu.dma_semaphore, #tpu.memory_space<semaphore_mem>>
    %dma_start3A_30 = arith.constant 0 : i32
    %dma_start3A_31 = arith.constant 0 : i32
    %dma_start3A_32 = tpu.memref_slice %arg10[%dma_start3A_20, %dma_start3A_30, %dma_start3A_31] : memref<2x32x768xf32, #tpu.memory_space<vmem>> -> memref<1x32x768xf32, #tpu.memory_space<vmem>>
    %dma_start3A_33 = tpu.memref_squeeze %dma_start3A_32 : memref<1x32x768xf32, #tpu.memory_space<vmem>> -> memref<32x768xf32, #tpu.memory_space<vmem>>
    %dma_start3A_34 = arith.constant 0 : i32
    %dma_start3A_35 = tpu.memref_slice %arg2[%add3A_19, %dma_start3A_34] : memref<32768x768xf32, #tpu.memory_space<hbm>> -> memref<32x768xf32, #tpu.memory_space<hbm>>
    tpu.enqueue_dma source(%dma_start3A_35 : memref<32x768xf32, #tpu.memory_space<hbm>>) target(%dma_start3A_33 : memref<32x768xf32, #tpu.memory_space<vmem>>) target_semaphore(%dma_start3A_29 : memref<!tpu.dma_semaphore, #tpu.memory_space<semaphore_mem>>)
    %scan3A = arith.constant 0 : i32
    %scan3A_36 = arith.constant 0 : i32
    %scan3A_37 = arith.constant 32 : i32
    %scan3A_38 = arith.addi %scan3A_36, %scan3A_37 : i32
    %scan3A_39 = arith.constant 1 : i32
    %scan3A_40 = scf.for %scan3A_90 = %scan3A_36 to %scan3A_38 step %scan3A_39 iter_args(%scan3A_91 = %scan3A) -> (i32)  : i32 {
      %rem3A = arith.constant 3 : i32
      %rem3A_92 = arith.remsi %scan3A_90, %rem3A : i32
      %rem3A_93 = arith.constant 2 : i32
      %rem3A_94 = arith.remsi %scan3A_90, %rem3A_93 : i32
      %mul3A_95 = arith.constant 32 : i32
      %mul3A_96 = arith.muli %scan3A_90, %mul3A_95 : i32
      %dma_wait3A_97 = arith.constant 0 : i32
      %dma_wait3A_98 = arith.constant 0 : i32
      %dma_wait3A_99 = tpu.memref_slice %arg9[%rem3A_92, %dma_wait3A_97, %dma_wait3A_98] : memref<3x32x768xf32, #tpu.memory_space<vmem>> -> memref<1x32x768xf32, #tpu.memory_space<vmem>>
      %dma_wait3A_100 = tpu.memref_squeeze %dma_wait3A_99 : memref<1x32x768xf32, #tpu.memory_space<vmem>> -> memref<32x768xf32, #tpu.memory_space<vmem>>
      %dma_wait3A_101 = tpu.memref_slice %arg8[%mul3A_96] : memref<1024xi32, #tpu.memory_space<vmem>> -> memref<32xi32, #tpu.memory_space<vmem>>
      %dma_wait3A_102 = arith.constant 0 : i32
      %dma_wait3A_103 = arith.constant 0 : i32
      %dma_wait3A_104 = tpu.memref_slice %arg4[%dma_wait3A_102, %dma_wait3A_103] : memref<8192x768xf32, #tpu.memory_space<hbm>> -> memref<8192x768xf32, #tpu.memory_space<hbm>>
      %dma_wait3A_105 = tpu.memref_slice %arg17[%rem3A_92] : memref<3x!tpu.dma_semaphore, #tpu.memory_space<semaphore_mem>> -> memref<1x!tpu.dma_semaphore, #tpu.memory_space<semaphore_mem>>
      %dma_wait3A_106 = tpu.memref_squeeze %dma_wait3A_105 : memref<1x!tpu.dma_semaphore, #tpu.memory_space<semaphore_mem>> -> memref<!tpu.dma_semaphore, #tpu.memory_space<semaphore_mem>>
      tpu.wait_indirect_dma semaphore(%dma_wait3A_106 : memref<!tpu.dma_semaphore, #tpu.memory_space<semaphore_mem>>) src(%dma_wait3A_104 : memref<8192x768xf32, #tpu.memory_space<hbm>>) dst(%dma_wait3A_100 : memref<32x768xf32, #tpu.memory_space<vmem>>)
      %mul3A_107 = arith.constant 32 : i32
      %mul3A_108 = arith.muli %scan3A_90, %mul3A_107 : i32
      %add3A_109 = arith.addi %mul3A_2, %mul3A_108 : i32
      %dma_wait3A_110 = arith.constant 0 : i32
      %dma_wait3A_111 = arith.constant 0 : i32
      %dma_wait3A_112 = tpu.memref_slice %arg10[%rem3A_94, %dma_wait3A_110, %dma_wait3A_111] : memref<2x32x768xf32, #tpu.memory_space<vmem>> -> memref<1x32x768xf32, #tpu.memory_space<vmem>>
      %dma_wait3A_113 = tpu.memref_squeeze %dma_wait3A_112 : memref<1x32x768xf32, #tpu.memory_space<vmem>> -> memref<32x768xf32, #tpu.memory_space<vmem>>
      %dma_wait3A_114 = arith.constant 0 : i32
      %dma_wait3A_115 = tpu.memref_slice %arg2[%add3A_109, %dma_wait3A_114] : memref<32768x768xf32, #tpu.memory_space<hbm>> -> memref<32x768xf32, #tpu.memory_space<hbm>>
      %dma_wait3A_116 = tpu.memref_slice %arg18[%rem3A_94] : memref<2x!tpu.dma_semaphore, #tpu.memory_space<semaphore_mem>> -> memref<1x!tpu.dma_semaphore, #tpu.memory_space<semaphore_mem>>
      %dma_wait3A_117 = tpu.memref_squeeze %dma_wait3A_116 : memref<1x!tpu.dma_semaphore, #tpu.memory_space<semaphore_mem>> -> memref<!tpu.dma_semaphore, #tpu.memory_space<semaphore_mem>>
      %dma_wait3A_118 = arith.constant 0 : i32
      %dma_wait3A_119 = arith.constant 0 : i32
      %dma_wait3A_120 = tpu.memref_slice %arg10[%rem3A_94, %dma_wait3A_118, %dma_wait3A_119] : memref<2x32x768xf32, #tpu.memory_space<vmem>> -> memref<1x32x768xf32, #tpu.memory_space<vmem>>
      %dma_wait3A_121 = tpu.memref_squeeze %dma_wait3A_120 : memref<1x32x768xf32, #tpu.memory_space<vmem>> -> memref<32x768xf32, #tpu.memory_space<vmem>>
      %dma_wait3A_122 = arith.constant 0 : i32
      %dma_wait3A_123 = tpu.memref_slice %arg2[%add3A_109, %dma_wait3A_122] : memref<32768x768xf32, #tpu.memory_space<hbm>> -> memref<32x768xf32, #tpu.memory_space<hbm>>
      tpu.wait_dma2 semaphore(%dma_wait3A_117 : memref<!tpu.dma_semaphore, #tpu.memory_space<semaphore_mem>>) src(%dma_wait3A_123 : memref<32x768xf32, #tpu.memory_space<hbm>>) dst(%dma_wait3A_121 : memref<32x768xf32, #tpu.memory_space<vmem>>)
      %add3A_124 = arith.constant 1 : i32
      %add3A_125 = arith.addi %scan3A_90, %add3A_124 : i32
      %lt3A = arith.constant 32 : i32
      %lt3A_126 = arith.cmpi slt, %add3A_125, %lt3A : i32
      %convert_element_type3A = arith.extui %lt3A_126 : i1 to i32
      %cond3A = arith.constant 0 : i32
      %cond3A_127 = arith.cmpi ne, %convert_element_type3A, %cond3A : i32
      scf.if %cond3A_127 {
        %add3A_816 = arith.constant 1 : i32
        %add3A_817 = arith.addi %scan3A_90, %add3A_816 : i32
        %rem3A_818 = arith.constant 3 : i32
        %rem3A_819 = arith.remsi %add3A_817, %rem3A_818 : i32
        %add3A_820 = arith.constant 1 : i32
        %add3A_821 = arith.addi %scan3A_90, %add3A_820 : i32
        %rem3A_822 = arith.constant 2 : i32
        %rem3A_823 = arith.remsi %add3A_821, %rem3A_822 : i32
        %add3A_824 = arith.constant 1 : i32
        %add3A_825 = arith.addi %scan3A_90, %add3A_824 : i32
        %mul3A_826 = arith.constant 32 : i32
        %mul3A_827 = arith.muli %add3A_825, %mul3A_826 : i32
        %add3A_828 = arith.addi %mul3A_2, %mul3A_827 : i32
        %dma_start3A_829 = arith.constant 0 : i32
        %dma_start3A_830 = arith.constant 0 : i32
        %dma_start3A_831 = tpu.memref_slice %arg10[%rem3A_823, %dma_start3A_829, %dma_start3A_830] : memref<2x32x768xf32, #tpu.memory_space<vmem>> -> memref<1x32x768xf32, #tpu.memory_space<vmem>>
        %dma_start3A_832 = tpu.memref_squeeze %dma_start3A_831 : memref<1x32x768xf32, #tpu.memory_space<vmem>> -> memref<32x768xf32, #tpu.memory_space<vmem>>
        %dma_start3A_833 = arith.constant 0 : i32
        %dma_start3A_834 = tpu.memref_slice %arg2[%add3A_828, %dma_start3A_833] : memref<32768x768xf32, #tpu.memory_space<hbm>> -> memref<32x768xf32, #tpu.memory_space<hbm>>
        %dma_start3A_835 = tpu.memref_slice %arg18[%rem3A_823] : memref<2x!tpu.dma_semaphore, #tpu.memory_space<semaphore_mem>> -> memref<1x!tpu.dma_semaphore, #tpu.memory_space<semaphore_mem>>
        %dma_start3A_836 = tpu.memref_squeeze %dma_start3A_835 : memref<1x!tpu.dma_semaphore, #tpu.memory_space<semaphore_mem>> -> memref<!tpu.dma_semaphore, #tpu.memory_space<semaphore_mem>>
        %dma_start3A_837 = arith.constant 0 : i32
        %dma_start3A_838 = arith.constant 0 : i32
        %dma_start3A_839 = tpu.memref_slice %arg10[%rem3A_823, %dma_start3A_837, %dma_start3A_838] : memref<2x32x768xf32, #tpu.memory_space<vmem>> -> memref<1x32x768xf32, #tpu.memory_space<vmem>>
        %dma_start3A_840 = tpu.memref_squeeze %dma_start3A_839 : memref<1x32x768xf32, #tpu.memory_space<vmem>> -> memref<32x768xf32, #tpu.memory_space<vmem>>
        %dma_start3A_841 = arith.constant 0 : i32
        %dma_start3A_842 = tpu.memref_slice %arg2[%add3A_828, %dma_start3A_841] : memref<32768x768xf32, #tpu.memory_space<hbm>> -> memref<32x768xf32, #tpu.memory_space<hbm>>
        tpu.enqueue_dma source(%dma_start3A_842 : memref<32x768xf32, #tpu.memory_space<hbm>>) target(%dma_start3A_840 : memref<32x768xf32, #tpu.memory_space<vmem>>) target_semaphore(%dma_start3A_836 : memref<!tpu.dma_semaphore, #tpu.memory_space<semaphore_mem>>)
        %ge3A = arith.constant 2 : i32
        %ge3A_843 = arith.cmpi sge, %scan3A_90, %ge3A : i32
        %convert_element_type3A_844 = arith.extui %ge3A_843 : i1 to i32
        %cond3A_845 = arith.constant 0 : i32
        %cond3A_846 = arith.cmpi ne, %convert_element_type3A_844, %cond3A_845 : i32
        scf.if %cond3A_846 {
          %sub3A_861 = arith.constant 2 : i32
          %sub3A_862 = arith.subi %scan3A_90, %sub3A_861 : i32
          %mul3A_863 = arith.constant 32 : i32
          %mul3A_864 = arith.muli %sub3A_862, %mul3A_863 : i32
          %add3A_865 = arith.addi %mul3A_2, %mul3A_864 : i32
          %dma_wait3A_866 = arith.constant 0 : i32
          %dma_wait3A_867 = arith.constant 0 : i32
          %dma_wait3A_868 = tpu.memref_slice %arg9[%rem3A_819, %dma_wait3A_866, %dma_wait3A_867] : memref<3x32x768xf32, #tpu.memory_space<vmem>> -> memref<1x32x768xf32, #tpu.memory_space<vmem>>
          %dma_wait3A_869 = tpu.memref_squeeze %dma_wait3A_868 : memref<1x32x768xf32, #tpu.memory_space<vmem>> -> memref<32x768xf32, #tpu.memory_space<vmem>>
          %dma_wait3A_870 = arith.constant 0 : i32
          %dma_wait3A_871 = tpu.memref_slice %arg7[%add3A_865, %dma_wait3A_870] : memref<32768x768xf32, #tpu.memory_space<hbm>> -> memref<32x768xf32, #tpu.memory_space<hbm>>
          %dma_wait3A_872 = tpu.memref_slice %arg19[%rem3A_819] : memref<3x!tpu.dma_semaphore, #tpu.memory_space<semaphore_mem>> -> memref<1x!tpu.dma_semaphore, #tpu.memory_space<semaphore_mem>>
          %dma_wait3A_873 = tpu.memref_squeeze %dma_wait3A_872 : memref<1x!tpu.dma_semaphore, #tpu.memory_space<semaphore_mem>> -> memref<!tpu.dma_semaphore, #tpu.memory_space<semaphore_mem>>
          %dma_wait3A_874 = arith.constant 0 : i32
          %dma_wait3A_875 = tpu.memref_slice %arg7[%add3A_865, %dma_wait3A_874] : memref<32768x768xf32, #tpu.memory_space<hbm>> -> memref<32x768xf32, #tpu.memory_space<hbm>>
          %dma_wait3A_876 = arith.constant 0 : i32
          %dma_wait3A_877 = arith.constant 0 : i32
          %dma_wait3A_878 = tpu.memref_slice %arg9[%rem3A_819, %dma_wait3A_876, %dma_wait3A_877] : memref<3x32x768xf32, #tpu.memory_space<vmem>> -> memref<1x32x768xf32, #tpu.memory_space<vmem>>
          %dma_wait3A_879 = tpu.memref_squeeze %dma_wait3A_878 : memref<1x32x768xf32, #tpu.memory_space<vmem>> -> memref<32x768xf32, #tpu.memory_space<vmem>>
          tpu.wait_dma2 semaphore(%dma_wait3A_873 : memref<!tpu.dma_semaphore, #tpu.memory_space<semaphore_mem>>) src(%dma_wait3A_879 : memref<32x768xf32, #tpu.memory_space<vmem>>) dst(%dma_wait3A_875 : memref<32x768xf32, #tpu.memory_space<hbm>>)
        } else {
        }
        %add3A_847 = arith.constant 1 : i32
        %add3A_848 = arith.addi %scan3A_90, %add3A_847 : i32
        %mul3A_849 = arith.constant 32 : i32
        %mul3A_850 = arith.muli %add3A_848, %mul3A_849 : i32
        %dma_start3A_851 = arith.constant 0 : i32
        %dma_start3A_852 = arith.constant 0 : i32
        %dma_start3A_853 = tpu.memref_slice %arg9[%rem3A_819, %dma_start3A_851, %dma_start3A_852] : memref<3x32x768xf32, #tpu.memory_space<vmem>> -> memref<1x32x768xf32, #tpu.memory_space<vmem>>
        %dma_start3A_854 = tpu.memref_squeeze %dma_start3A_853 : memref<1x32x768xf32, #tpu.memory_space<vmem>> -> memref<32x768xf32, #tpu.memory_space<vmem>>
        %dma_start3A_855 = tpu.memref_slice %arg8[%mul3A_850] : memref<1024xi32, #tpu.memory_space<vmem>> -> memref<32xi32, #tpu.memory_space<vmem>>
        %dma_start3A_856 = arith.constant 0 : i32
        %dma_start3A_857 = arith.constant 0 : i32
        %dma_start3A_858 = tpu.memref_slice %arg4[%dma_start3A_856, %dma_start3A_857] : memref<8192x768xf32, #tpu.memory_space<hbm>> -> memref<8192x768xf32, #tpu.memory_space<hbm>>
        %dma_start3A_859 = tpu.memref_slice %arg17[%rem3A_819] : memref<3x!tpu.dma_semaphore, #tpu.memory_space<semaphore_mem>> -> memref<1x!tpu.dma_semaphore, #tpu.memory_space<semaphore_mem>>
        %dma_start3A_860 = tpu.memref_squeeze %dma_start3A_859 : memref<1x!tpu.dma_semaphore, #tpu.memory_space<semaphore_mem>> -> memref<!tpu.dma_semaphore, #tpu.memory_space<semaphore_mem>>
        tpu.enqueue_indirect_dma source(%dma_start3A_858 : memref<8192x768xf32, #tpu.memory_space<hbm>>) target(%dma_start3A_854 : memref<32x768xf32, #tpu.memory_space<vmem>>) offsets(%dma_start3A_855 : memref<32xi32, #tpu.memory_space<vmem>>) semaphore(%dma_start3A_860 : memref<!tpu.dma_semaphore, #tpu.memory_space<semaphore_mem>>)
      } else {
      }
      %scan3A_128 = arith.constant 0 : i32
      %scan3A_129 = arith.constant 0 : i32
      %scan3A_130 = arith.constant 8 : i32
      %scan3A_131 = arith.addi %scan3A_129, %scan3A_130 : i32
      %scan3A_132 = arith.constant 1 : i32
      %scan3A_133 = scf.for %scan3A_816 = %scan3A_129 to %scan3A_131 step %scan3A_132 iter_args(%scan3A_817 = %scan3A_128) -> (i32)  : i32 {
        %mul3A_818 = arith.constant 4 : i32
        %mul3A_819 = arith.muli %scan3A_816, %mul3A_818 : i32
        %broadcast_in_dim3A_820 = arith.constant 0.000000e+00 : f32
        %broadcast_in_dim3A_821 = vector.broadcast %broadcast_in_dim3A_820 : f32 to vector<16xf32>
        %parallel_loop3A = arith.constant 0 : i32
        %parallel_loop3A_822 = arith.constant 48 : i32
        %parallel_loop3A_823 = arith.constant 1 : i32
        %parallel_loop3A_824:8 = scf.for %parallel_loop3A_874 = %parallel_loop3A to %parallel_loop3A_822 step %parallel_loop3A_823 iter_args(%parallel_loop3A_875 = %broadcast_in_dim3A_821, %parallel_loop3A_876 = %broadcast_in_dim3A_821, %parallel_loop3A_877 = %broadcast_in_dim3A_821, %parallel_loop3A_878 = %broadcast_in_dim3A_821, %parallel_loop3A_879 = %broadcast_in_dim3A_821, %parallel_loop3A_880 = %broadcast_in_dim3A_821, %parallel_loop3A_881 = %broadcast_in_dim3A_821, %parallel_loop3A_882 = %broadcast_in_dim3A_821) -> (vector<16xf32>, vector<16xf32>, vector<16xf32>, vector<16xf32>, vector<16xf32>, vector<16xf32>, vector<16xf32>, vector<16xf32>)  : i32 {
          %parallel_loop3A_883 = arith.constant 16 : i32
          %parallel_loop3A_884 = arith.muli %parallel_loop3A_874, %parallel_loop3A_883 : i32
          %parallel_loop3A_885 = arith.constant 0 : i32
          %parallel_loop3A_886 = arith.addi %mul3A_819, %parallel_loop3A_885 : i32
          %parallel_loop3A_887 = arith.index_cast %rem3A_92 : i32 to index
          %parallel_loop3A_888 = arith.index_cast %parallel_loop3A_886 : i32 to index
          %parallel_loop3A_889 = arith.index_cast %parallel_loop3A_884 : i32 to index
          %parallel_loop3A_890 = tpu.vector_load %arg9[%parallel_loop3A_887, %parallel_loop3A_888, %parallel_loop3A_889] {strides = array<i32>} : memref<3x32x768xf32, #tpu.memory_space<vmem>>, vector<16xf32>,
          %parallel_loop3A_891 = arith.constant 0 : i32
          %parallel_loop3A_892 = arith.addi %mul3A_819, %parallel_loop3A_891 : i32
          %parallel_loop3A_893 = arith.index_cast %rem3A_94 : i32 to index
          %parallel_loop3A_894 = arith.index_cast %parallel_loop3A_892 : i32 to index
          %parallel_loop3A_895 = arith.index_cast %parallel_loop3A_884 : i32 to index
          %parallel_loop3A_896 = tpu.vector_load %arg10[%parallel_loop3A_893, %parallel_loop3A_894, %parallel_loop3A_895] {strides = array<i32>} : memref<2x32x768xf32, #tpu.memory_space<vmem>>, vector<16xf32>,
          %parallel_loop3A_897 = arith.addf %parallel_loop3A_890, %parallel_loop3A_896 : vector<16xf32>
          %parallel_loop3A_898 = arith.constant 0 : i32
          %parallel_loop3A_899 = arith.addi %mul3A_819, %parallel_loop3A_898 : i32
          %parallel_loop3A_900 = arith.index_cast %rem3A_92 : i32 to index
          %parallel_loop3A_901 = arith.index_cast %parallel_loop3A_899 : i32 to index
          %parallel_loop3A_902 = arith.index_cast %parallel_loop3A_884 : i32 to index
          %parallel_loop3A_903 = tpu.vector_load %arg9[%parallel_loop3A_900, %parallel_loop3A_901, %parallel_loop3A_902] {strides = array<i32>} : memref<3x32x768xf32, #tpu.memory_space<vmem>>, vector<16xf32>,
          tpu.vector_store %arg9[%parallel_loop3A_900, %parallel_loop3A_901, %parallel_loop3A_902], %parallel_loop3A_897 {strides = array<i32>} : memref<3x32x768xf32, #tpu.memory_space<vmem>>, vector<16xf32>,
          %parallel_loop3A_904 = arith.addf %parallel_loop3A_875, %parallel_loop3A_897 : vector<16xf32>
          %parallel_loop3A_905 = arith.mulf %parallel_loop3A_897, %parallel_loop3A_897 : vector<16xf32>
          %parallel_loop3A_906 = arith.addf %parallel_loop3A_876, %parallel_loop3A_905 : vector<16xf32>
          %parallel_loop3A_907 = arith.constant 1 : i32
          %parallel_loop3A_908 = arith.addi %mul3A_819, %parallel_loop3A_907 : i32
          %parallel_loop3A_909 = arith.index_cast %rem3A_92 : i32 to index
          %parallel_loop3A_910 = arith.index_cast %parallel_loop3A_908 : i32 to index
          %parallel_loop3A_911 = arith.index_cast %parallel_loop3A_884 : i32 to index
          %parallel_loop3A_912 = tpu.vector_load %arg9[%parallel_loop3A_909, %parallel_loop3A_910, %parallel_loop3A_911] {strides = array<i32>} : memref<3x32x768xf32, #tpu.memory_space<vmem>>, vector<16xf32>,
          %parallel_loop3A_913 = arith.constant 1 : i32
          %parallel_loop3A_914 = arith.addi %mul3A_819, %parallel_loop3A_913 : i32
          %parallel_loop3A_915 = arith.index_cast %rem3A_94 : i32 to index
          %parallel_loop3A_916 = arith.index_cast %parallel_loop3A_914 : i32 to index
          %parallel_loop3A_917 = arith.index_cast %parallel_loop3A_884 : i32 to index
          %parallel_loop3A_918 = tpu.vector_load %arg10[%parallel_loop3A_915, %parallel_loop3A_916, %parallel_loop3A_917] {strides = array<i32>} : memref<2x32x768xf32, #tpu.memory_space<vmem>>, vector<16xf32>,
          %parallel_loop3A_919 = arith.addf %parallel_loop3A_912, %parallel_loop3A_918 : vector<16xf32>
          %parallel_loop3A_920 = arith.constant 1 : i32
          %parallel_loop3A_921 = arith.addi %mul3A_819, %parallel_loop3A_920 : i32
          %parallel_loop3A_922 = arith.index_cast %rem3A_92 : i32 to index
          %parallel_loop3A_923 = arith.index_cast %parallel_loop3A_921 : i32 to index
          %parallel_loop3A_924 = arith.index_cast %parallel_loop3A_884 : i32 to index
          %parallel_loop3A_925 = tpu.vector_load %arg9[%parallel_loop3A_922, %parallel_loop3A_923, %parallel_loop3A_924] {strides = array<i32>} : memref<3x32x768xf32, #tpu.memory_space<vmem>>, vector<16xf32>,
          tpu.vector_store %arg9[%parallel_loop3A_922, %parallel_loop3A_923, %parallel_loop3A_924], %parallel_loop3A_919 {strides = array<i32>} : memref<3x32x768xf32, #tpu.memory_space<vmem>>, vector<16xf32>,
          %parallel_loop3A_926 = arith.addf %parallel_loop3A_877, %parallel_loop3A_919 : vector<16xf32>
          %parallel_loop3A_927 = arith.mulf %parallel_loop3A_919, %parallel_loop3A_919 : vector<16xf32>
          %parallel_loop3A_928 = arith.addf %parallel_loop3A_878, %parallel_loop3A_927 : vector<16xf32>
          %parallel_loop3A_929 = arith.constant 2 : i32
          %parallel_loop3A_930 = arith.addi %mul3A_819, %parallel_loop3A_929 : i32
          %parallel_loop3A_931 = arith.index_cast %rem3A_92 : i32 to index
          %parallel_loop3A_932 = arith.index_cast %parallel_loop3A_930 : i32 to index
          %parallel_loop3A_933 = arith.index_cast %parallel_loop3A_884 : i32 to index
          %parallel_loop3A_934 = tpu.vector_load %arg9[%parallel_loop3A_931, %parallel_loop3A_932, %parallel_loop3A_933] {strides = array<i32>} : memref<3x32x768xf32, #tpu.memory_space<vmem>>, vector<16xf32>,
          %parallel_loop3A_935 = arith.constant 2 : i32
          %parallel_loop3A_936 = arith.addi %mul3A_819, %parallel_loop3A_935 : i32
          %parallel_loop3A_937 = arith.index_cast %rem3A_94 : i32 to index
          %parallel_loop3A_938 = arith.index_cast %parallel_loop3A_936 : i32 to index
          %parallel_loop3A_939 = arith.index_cast %parallel_loop3A_884 : i32 to index
          %parallel_loop3A_940 = tpu.vector_load %arg10[%parallel_loop3A_937, %parallel_loop3A_938, %parallel_loop3A_939] {strides = array<i32>} : memref<2x32x768xf32, #tpu.memory_space<vmem>>, vector<16xf32>,
          %parallel_loop3A_941 = arith.addf %parallel_loop3A_934, %parallel_loop3A_940 : vector<16xf32>
          %parallel_loop3A_942 = arith.constant 2 : i32
          %parallel_loop3A_943 = arith.addi %mul3A_819, %parallel_loop3A_942 : i32
          %parallel_loop3A_944 = arith.index_cast %rem3A_92 : i32 to index
          %parallel_loop3A_945 = arith.index_cast %parallel_loop3A_943 : i32 to index
          %parallel_loop3A_946 = arith.index_cast %parallel_loop3A_884 : i32 to index
          %parallel_loop3A_947 = tpu.vector_load %arg9[%parallel_loop3A_944, %parallel_loop3A_945, %parallel_loop3A_946] {strides = array<i32>} : memref<3x32x768xf32, #tpu.memory_space<vmem>>, vector<16xf32>,
          tpu.vector_store %arg9[%parallel_loop3A_944, %parallel_loop3A_945, %parallel_loop3A_946], %parallel_loop3A_941 {strides = array<i32>} : memref<3x32x768xf32, #tpu.memory_space<vmem>>, vector<16xf32>,
          %parallel_loop3A_948 = arith.addf %parallel_loop3A_879, %parallel_loop3A_941 : vector<16xf32>
          %parallel_loop3A_949 = arith.mulf %parallel_loop3A_941, %parallel_loop3A_941 : vector<16xf32>
          %parallel_loop3A_950 = arith.addf %parallel_loop3A_880, %parallel_loop3A_949 : vector<16xf32>
          %parallel_loop3A_951 = arith.constant 3 : i32
          %parallel_loop3A_952 = arith.addi %mul3A_819, %parallel_loop3A_951 : i32
          %parallel_loop3A_953 = arith.index_cast %rem3A_92 : i32 to index
          %parallel_loop3A_954 = arith.index_cast %parallel_loop3A_952 : i32 to index
          %parallel_loop3A_955 = arith.index_cast %parallel_loop3A_884 : i32 to index
          %parallel_loop3A_956 = tpu.vector_load %arg9[%parallel_loop3A_953, %parallel_loop3A_954, %parallel_loop3A_955] {strides = array<i32>} : memref<3x32x768xf32, #tpu.memory_space<vmem>>, vector<16xf32>,
          %parallel_loop3A_957 = arith.constant 3 : i32
          %parallel_loop3A_958 = arith.addi %mul3A_819, %parallel_loop3A_957 : i32
          %parallel_loop3A_959 = arith.index_cast %rem3A_94 : i32 to index
          %parallel_loop3A_960 = arith.index_cast %parallel_loop3A_958 : i32 to index
          %parallel_loop3A_961 = arith.index_cast %parallel_loop3A_884 : i32 to index
          %parallel_loop3A_962 = tpu.vector_load %arg10[%parallel_loop3A_959, %parallel_loop3A_960, %parallel_loop3A_961] {strides = array<i32>} : memref<2x32x768xf32, #tpu.memory_space<vmem>>, vector<16xf32>,
          %parallel_loop3A_963 = arith.addf %parallel_loop3A_956, %parallel_loop3A_962 : vector<16xf32>
          %parallel_loop3A_964 = arith.constant 3 : i32
          %parallel_loop3A_965 = arith.addi %mul3A_819, %parallel_loop3A_964 : i32
          %parallel_loop3A_966 = arith.index_cast %rem3A_92 : i32 to index
          %parallel_loop3A_967 = arith.index_cast %parallel_loop3A_965 : i32 to index
          %parallel_loop3A_968 = arith.index_cast %parallel_loop3A_884 : i32 to index
          %parallel_loop3A_969 = tpu.vector_load %arg9[%parallel_loop3A_966, %parallel_loop3A_967, %parallel_loop3A_968] {strides = array<i32>} : memref<3x32x768xf32, #tpu.memory_space<vmem>>, vector<16xf32>,
          tpu.vector_store %arg9[%parallel_loop3A_966, %parallel_loop3A_967, %parallel_loop3A_968], %parallel_loop3A_963 {strides = array<i32>} : memref<3x32x768xf32, #tpu.memory_space<vmem>>, vector<16xf32>,
          %parallel_loop3A_970 = arith.addf %parallel_loop3A_881, %parallel_loop3A_963 : vector<16xf32>
          %parallel_loop3A_971 = arith.mulf %parallel_loop3A_963, %parallel_loop3A_963 : vector<16xf32>
          %parallel_loop3A_972 = arith.addf %parallel_loop3A_882, %parallel_loop3A_971 : vector<16xf32>
          scf.yield %parallel_loop3A_904, %parallel_loop3A_906, %parallel_loop3A_926, %parallel_loop3A_928, %parallel_loop3A_948, %parallel_loop3A_950, %parallel_loop3A_970, %parallel_loop3A_972 : vector<16xf32>, vector<16xf32>, vector<16xf32>, vector<16xf32>, vector<16xf32>, vector<16xf32>, vector<16xf32>, vector<16xf32>
        } {sc.loop_unroll_factor = 4 : i64, sc.parallel_access}
        %add3A_825 = arith.constant 0 : i32
        %add3A_826 = arith.addi %mul3A_819, %add3A_825 : i32
        %mul3A_827 = arith.constant 16 : i32
        %mul3A_828 = arith.muli %add3A_826, %mul3A_827 : i32
        %swap3A_829 = arith.index_cast %mul3A_828 : i32 to index
        %swap3A_830 = tpu.vector_load %arg11[%swap3A_829] {strides = array<i32>} : memref<512xf32, #tpu.memory_space<vmem>>, vector<16xf32>,
        tpu.vector_store %arg11[%swap3A_829], %parallel_loop3A_824#0 {strides = array<i32>} : memref<512xf32, #tpu.memory_space<vmem>>, vector<16xf32>,
        %add3A_831 = arith.constant 0 : i32
        %add3A_832 = arith.addi %mul3A_819, %add3A_831 : i32
        %mul3A_833 = arith.constant 16 : i32
        %mul3A_834 = arith.muli %add3A_832, %mul3A_833 : i32
        %swap3A_835 = arith.index_cast %mul3A_834 : i32 to index
        %swap3A_836 = tpu.vector_load %arg12[%swap3A_835] {strides = array<i32>} : memref<512xf32, #tpu.memory_space<vmem>>, vector<16xf32>,
        tpu.vector_store %arg12[%swap3A_835], %parallel_loop3A_824#1 {strides = array<i32>} : memref<512xf32, #tpu.memory_space<vmem>>, vector<16xf32>,
        %add3A_837 = arith.constant 1 : i32
        %add3A_838 = arith.addi %mul3A_819, %add3A_837 : i32
        %mul3A_839 = arith.constant 16 : i32
        %mul3A_840 = arith.muli %add3A_838, %mul3A_839 : i32
        %swap3A_841 = arith.index_cast %mul3A_840 : i32 to index
        %swap3A_842 = tpu.vector_load %arg11[%swap3A_841] {strides = array<i32>} : memref<512xf32, #tpu.memory_space<vmem>>, vector<16xf32>,
        tpu.vector_store %arg11[%swap3A_841], %parallel_loop3A_824#2 {strides = array<i32>} : memref<512xf32, #tpu.memory_space<vmem>>, vector<16xf32>,
        %add3A_843 = arith.constant 1 : i32
        %add3A_844 = arith.addi %mul3A_819, %add3A_843 : i32
        %mul3A_845 = arith.constant 16 : i32
        %mul3A_846 = arith.muli %add3A_844, %mul3A_845 : i32
        %swap3A_847 = arith.index_cast %mul3A_846 : i32 to index
        %swap3A_848 = tpu.vector_load %arg12[%swap3A_847] {strides = array<i32>} : memref<512xf32, #tpu.memory_space<vmem>>, vector<16xf32>,
        tpu.vector_store %arg12[%swap3A_847], %parallel_loop3A_824#3 {strides = array<i32>} : memref<512xf32, #tpu.memory_space<vmem>>, vector<16xf32>,
        %add3A_849 = arith.constant 2 : i32
        %add3A_850 = arith.addi %mul3A_819, %add3A_849 : i32
        %mul3A_851 = arith.constant 16 : i32
        %mul3A_852 = arith.muli %add3A_850, %mul3A_851 : i32
        %swap3A_853 = arith.index_cast %mul3A_852 : i32 to index
        %swap3A_854 = tpu.vector_load %arg11[%swap3A_853] {strides = array<i32>} : memref<512xf32, #tpu.memory_space<vmem>>, vector<16xf32>,
        tpu.vector_store %arg11[%swap3A_853], %parallel_loop3A_824#4 {strides = array<i32>} : memref<512xf32, #tpu.memory_space<vmem>>, vector<16xf32>,
        %add3A_855 = arith.constant 2 : i32
        %add3A_856 = arith.addi %mul3A_819, %add3A_855 : i32
        %mul3A_857 = arith.constant 16 : i32
        %mul3A_858 = arith.muli %add3A_856, %mul3A_857 : i32
        %swap3A_859 = arith.index_cast %mul3A_858 : i32 to index
        %swap3A_860 = tpu.vector_load %arg12[%swap3A_859] {strides = array<i32>} : memref<512xf32, #tpu.memory_space<vmem>>, vector<16xf32>,
        tpu.vector_store %arg12[%swap3A_859], %parallel_loop3A_824#5 {strides = array<i32>} : memref<512xf32, #tpu.memory_space<vmem>>, vector<16xf32>,
        %add3A_861 = arith.constant 3 : i32
        %add3A_862 = arith.addi %mul3A_819, %add3A_861 : i32
        %mul3A_863 = arith.constant 16 : i32
        %mul3A_864 = arith.muli %add3A_862, %mul3A_863 : i32
        %swap3A_865 = arith.index_cast %mul3A_864 : i32 to index
        %swap3A_866 = tpu.vector_load %arg11[%swap3A_865] {strides = array<i32>} : memref<512xf32, #tpu.memory_space<vmem>>, vector<16xf32>,
        tpu.vector_store %arg11[%swap3A_865], %parallel_loop3A_824#6 {strides = array<i32>} : memref<512xf32, #tpu.memory_space<vmem>>, vector<16xf32>,
        %add3A_867 = arith.constant 3 : i32
        %add3A_868 = arith.addi %mul3A_819, %add3A_867 : i32
        %mul3A_869 = arith.constant 16 : i32
        %mul3A_870 = arith.muli %add3A_868, %mul3A_869 : i32
        %swap3A_871 = arith.index_cast %mul3A_870 : i32 to index
        %swap3A_872 = tpu.vector_load %arg12[%swap3A_871] {strides = array<i32>} : memref<512xf32, #tpu.memory_space<vmem>>, vector<16xf32>,
        tpu.vector_store %arg12[%swap3A_871], %parallel_loop3A_824#7 {strides = array<i32>} : memref<512xf32, #tpu.memory_space<vmem>>, vector<16xf32>,
        %scan3A_873 = arith.constant 0 : i32
        scf.yield %scan3A_873 : i32
      }
      %scan3A_134 = arith.constant 8 : i32
      %iota3A = tpu.iota {dimensions = array<i32: 0>} : vector<16xi32>
      %add3A_135 = arith.constant 0 : i32
      %add3A_136 = vector.broadcast %add3A_135 : i32 to vector<16xi32>
      %add3A_137 = arith.addi %iota3A, %add3A_136 : vector<16xi32>
      %mul3A_138 = arith.constant 16 : i32
      %mul3A_139 = vector.broadcast %mul3A_138 : i32 to vector<16xi32>
      %mul3A_140 = arith.muli %add3A_137, %mul3A_139 : vector<16xi32>
      %broadcast_in_dim3A = arith.constant 0.000000e+00 : f32
      %broadcast_in_dim3A_141 = vector.broadcast %broadcast_in_dim3A : f32 to vector<16xf32>
      %broadcast_in_dim3A_142 = arith.constant 0.000000e+00 : f32
      %broadcast_in_dim3A_143 = vector.broadcast %broadcast_in_dim3A_142 : f32 to vector<16xf32>
      %add3A_144 = arith.constant 0 : i32
      %add3A_145 = vector.broadcast %add3A_144 : i32 to vector<16xi32>
      %add3A_146 = arith.addi %mul3A_140, %add3A_145 : vector<16xi32>
      %gather3A = tpu.vector_load_idx %arg11[%add3A_146] : memref<512xf32, #tpu.memory_space<vmem>>[vector<16xi32>], vector<16xf32>,
      %add3A_147 = arith.addf %broadcast_in_dim3A_141, %gather3A : vector<16xf32>
      %gather3A_148 = tpu.vector_load_idx %arg12[%add3A_146] : memref<512xf32, #tpu.memory_space<vmem>>[vector<16xi32>], vector<16xf32>,
      %add3A_149 = arith.addf %broadcast_in_dim3A_143, %gather3A_148 : vector<16xf32>
      %add3A_150 = arith.constant 1 : i32
      %add3A_151 = vector.broadcast %add3A_150 : i32 to vector<16xi32>
      %add3A_152 = arith.addi %mul3A_140, %add3A_151 : vector<16xi32>
      %gather3A_153 = tpu.vector_load_idx %arg11[%add3A_152] : memref<512xf32, #tpu.memory_space<vmem>>[vector<16xi32>], vector<16xf32>,
      %add3A_154 = arith.addf %add3A_147, %gather3A_153 : vector<16xf32>
      %gather3A_155 = tpu.vector_load_idx %arg12[%add3A_152] : memref<512xf32, #tpu.memory_space<vmem>>[vector<16xi32>], vector<16xf32>,
      %add3A_156 = arith.addf %add3A_149, %gather3A_155 : vector<16xf32>
      %add3A_157 = arith.constant 2 : i32
      %add3A_158 = vector.broadcast %add3A_157 : i32 to vector<16xi32>
      %add3A_159 = arith.addi %mul3A_140, %add3A_158 : vector<16xi32>
      %gather3A_160 = tpu.vector_load_idx %arg11[%add3A_159] : memref<512xf32, #tpu.memory_space<vmem>>[vector<16xi32>], vector<16xf32>,
      %add3A_161 = arith.addf %add3A_154, %gather3A_160 : vector<16xf32>
      %gather3A_162 = tpu.vector_load_idx %arg12[%add3A_159] : memref<512xf32, #tpu.memory_space<vmem>>[vector<16xi32>], vector<16xf32>,
      %add3A_163 = arith.addf %add3A_156, %gather3A_162 : vector<16xf32>
      %add3A_164 = arith.constant 3 : i32
      %add3A_165 = vector.broadcast %add3A_164 : i32 to vector<16xi32>
      %add3A_166 = arith.addi %mul3A_140, %add3A_165 : vector<16xi32>
      %gather3A_167 = tpu.vector_load_idx %arg11[%add3A_166] : memref<512xf32, #tpu.memory_space<vmem>>[vector<16xi32>], vector<16xf32>,
      %add3A_168 = arith.addf %add3A_161, %gather3A_167 : vector<16xf32>
      %gather3A_169 = tpu.vector_load_idx %arg12[%add3A_166] : memref<512xf32, #tpu.memory_space<vmem>>[vector<16xi32>], vector<16xf32>,
      %add3A_170 = arith.addf %add3A_163, %gather3A_169 : vector<16xf32>
      %add3A_171 = arith.constant 4 : i32
      %add3A_172 = vector.broadcast %add3A_171 : i32 to vector<16xi32>
      %add3A_173 = arith.addi %mul3A_140, %add3A_172 : vector<16xi32>
      %gather3A_174 = tpu.vector_load_idx %arg11[%add3A_173] : memref<512xf32, #tpu.memory_space<vmem>>[vector<16xi32>], vector<16xf32>,
      %add3A_175 = arith.addf %add3A_168, %gather3A_174 : vector<16xf32>
      %gather3A_176 = tpu.vector_load_idx %arg12[%add3A_173] : memref<512xf32, #tpu.memory_space<vmem>>[vector<16xi32>], vector<16xf32>,
      %add3A_177 = arith.addf %add3A_170, %gather3A_176 : vector<16xf32>
      %add3A_178 = arith.constant 5 : i32
      %add3A_179 = vector.broadcast %add3A_178 : i32 to vector<16xi32>
      %add3A_180 = arith.addi %mul3A_140, %add3A_179 : vector<16xi32>
      %gather3A_181 = tpu.vector_load_idx %arg11[%add3A_180] : memref<512xf32, #tpu.memory_space<vmem>>[vector<16xi32>], vector<16xf32>,
      %add3A_182 = arith.addf %add3A_175, %gather3A_181 : vector<16xf32>
      %gather3A_183 = tpu.vector_load_idx %arg12[%add3A_180] : memref<512xf32, #tpu.memory_space<vmem>>[vector<16xi32>], vector<16xf32>,
      %add3A_184 = arith.addf %add3A_177, %gather3A_183 : vector<16xf32>
      %add3A_185 = arith.constant 6 : i32
      %add3A_186 = vector.broadcast %add3A_185 : i32 to vector<16xi32>
      %add3A_187 = arith.addi %mul3A_140, %add3A_186 : vector<16xi32>
      %gather3A_188 = tpu.vector_load_idx %arg11[%add3A_187] : memref<512xf32, #tpu.memory_space<vmem>>[vector<16xi32>], vector<16xf32>,
      %add3A_189 = arith.addf %add3A_182, %gather3A_188 : vector<16xf32>
      %gather3A_190 = tpu.vector_load_idx %arg12[%add3A_187] : memref<512xf32, #tpu.memory_space<vmem>>[vector<16xi32>], vector<16xf32>,
      %add3A_191 = arith.addf %add3A_184, %gather3A_190 : vector<16xf32>
      %add3A_192 = arith.constant 7 : i32
      %add3A_193 = vector.broadcast %add3A_192 : i32 to vector<16xi32>
      %add3A_194 = arith.addi %mul3A_140, %add3A_193 : vector<16xi32>
      %gather3A_195 = tpu.vector_load_idx %arg11[%add3A_194] : memref<512xf32, #tpu.memory_space<vmem>>[vector<16xi32>], vector<16xf32>,
      %add3A_196 = arith.addf %add3A_189, %gather3A_195 : vector<16xf32>
      %gather3A_197 = tpu.vector_load_idx %arg12[%add3A_194] : memref<512xf32, #tpu.memory_space<vmem>>[vector<16xi32>], vector<16xf32>,
      %add3A_198 = arith.addf %add3A_191, %gather3A_197 : vector<16xf32>
      %add3A_199 = arith.constant 8 : i32
      %add3A_200 = vector.broadcast %add3A_199 : i32 to vector<16xi32>
      %add3A_201 = arith.addi %mul3A_140, %add3A_200 : vector<16xi32>
      %gather3A_202 = tpu.vector_load_idx %arg11[%add3A_201] : memref<512xf32, #tpu.memory_space<vmem>>[vector<16xi32>], vector<16xf32>,
      %add3A_203 = arith.addf %add3A_196, %gather3A_202 : vector<16xf32>
      %gather3A_204 = tpu.vector_load_idx %arg12[%add3A_201] : memref<512xf32, #tpu.memory_space<vmem>>[vector<16xi32>], vector<16xf32>,
      %add3A_205 = arith.addf %add3A_198, %gather3A_204 : vector<16xf32>
      %add3A_206 = arith.constant 9 : i32
      %add3A_207 = vector.broadcast %add3A_206 : i32 to vector<16xi32>
      %add3A_208 = arith.addi %mul3A_140, %add3A_207 : vector<16xi32>
      %gather3A_209 = tpu.vector_load_idx %arg11[%add3A_208] : memref<512xf32, #tpu.memory_space<vmem>>[vector<16xi32>], vector<16xf32>,
      %add3A_210 = arith.addf %add3A_203, %gather3A_209 : vector<16xf32>
      %gather3A_211 = tpu.vector_load_idx %arg12[%add3A_208] : memref<512xf32, #tpu.memory_space<vmem>>[vector<16xi32>], vector<16xf32>,
      %add3A_212 = arith.addf %add3A_205, %gather3A_211 : vector<16xf32>
      %add3A_213 = arith.constant 10 : i32
      %add3A_214 = vector.broadcast %add3A_213 : i32 to vector<16xi32>
      %add3A_215 = arith.addi %mul3A_140, %add3A_214 : vector<16xi32>
      %gather3A_216 = tpu.vector_load_idx %arg11[%add3A_215] : memref<512xf32, #tpu.memory_space<vmem>>[vector<16xi32>], vector<16xf32>,
      %add3A_217 = arith.addf %add3A_210, %gather3A_216 : vector<16xf32>
      %gather3A_218 = tpu.vector_load_idx %arg12[%add3A_215] : memref<512xf32, #tpu.memory_space<vmem>>[vector<16xi32>], vector<16xf32>,
      %add3A_219 = arith.addf %add3A_212, %gather3A_218 : vector<16xf32>
      %add3A_220 = arith.constant 11 : i32
      %add3A_221 = vector.broadcast %add3A_220 : i32 to vector<16xi32>
      %add3A_222 = arith.addi %mul3A_140, %add3A_221 : vector<16xi32>
      %gather3A_223 = tpu.vector_load_idx %arg11[%add3A_222] : memref<512xf32, #tpu.memory_space<vmem>>[vector<16xi32>], vector<16xf32>,
      %add3A_224 = arith.addf %add3A_217, %gather3A_223 : vector<16xf32>
      %gather3A_225 = tpu.vector_load_idx %arg12[%add3A_222] : memref<512xf32, #tpu.memory_space<vmem>>[vector<16xi32>], vector<16xf32>,
      %add3A_226 = arith.addf %add3A_219, %gather3A_225 : vector<16xf32>
      %add3A_227 = arith.constant 12 : i32
      %add3A_228 = vector.broadcast %add3A_227 : i32 to vector<16xi32>
      %add3A_229 = arith.addi %mul3A_140, %add3A_228 : vector<16xi32>
      %gather3A_230 = tpu.vector_load_idx %arg11[%add3A_229] : memref<512xf32, #tpu.memory_space<vmem>>[vector<16xi32>], vector<16xf32>,
      %add3A_231 = arith.addf %add3A_224, %gather3A_230 : vector<16xf32>
      %gather3A_232 = tpu.vector_load_idx %arg12[%add3A_229] : memref<512xf32, #tpu.memory_space<vmem>>[vector<16xi32>], vector<16xf32>,
      %add3A_233 = arith.addf %add3A_226, %gather3A_232 : vector<16xf32>
      %add3A_234 = arith.constant 13 : i32
      %add3A_235 = vector.broadcast %add3A_234 : i32 to vector<16xi32>
      %add3A_236 = arith.addi %mul3A_140, %add3A_235 : vector<16xi32>
      %gather3A_237 = tpu.vector_load_idx %arg11[%add3A_236] : memref<512xf32, #tpu.memory_space<vmem>>[vector<16xi32>], vector<16xf32>,
      %add3A_238 = arith.addf %add3A_231, %gather3A_237 : vector<16xf32>
      %gather3A_239 = tpu.vector_load_idx %arg12[%add3A_236] : memref<512xf32, #tpu.memory_space<vmem>>[vector<16xi32>], vector<16xf32>,
      %add3A_240 = arith.addf %add3A_233, %gather3A_239 : vector<16xf32>
      %add3A_241 = arith.constant 14 : i32
      %add3A_242 = vector.broadcast %add3A_241 : i32 to vector<16xi32>
      %add3A_243 = arith.addi %mul3A_140, %add3A_242 : vector<16xi32>
      %gather3A_244 = tpu.vector_load_idx %arg11[%add3A_243] : memref<512xf32, #tpu.memory_space<vmem>>[vector<16xi32>], vector<16xf32>,
      %add3A_245 = arith.addf %add3A_238, %gather3A_244 : vector<16xf32>
      %gather3A_246 = tpu.vector_load_idx %arg12[%add3A_243] : memref<512xf32, #tpu.memory_space<vmem>>[vector<16xi32>], vector<16xf32>,
      %add3A_247 = arith.addf %add3A_240, %gather3A_246 : vector<16xf32>
      %add3A_248 = arith.constant 15 : i32
      %add3A_249 = vector.broadcast %add3A_248 : i32 to vector<16xi32>
      %add3A_250 = arith.addi %mul3A_140, %add3A_249 : vector<16xi32>
      %gather3A_251 = tpu.vector_load_idx %arg11[%add3A_250] : memref<512xf32, #tpu.memory_space<vmem>>[vector<16xi32>], vector<16xf32>,
      %add3A_252 = arith.addf %add3A_245, %gather3A_251 : vector<16xf32>
      %gather3A_253 = tpu.vector_load_idx %arg12[%add3A_250] : memref<512xf32, #tpu.memory_space<vmem>>[vector<16xi32>], vector<16xf32>,
      %add3A_254 = arith.addf %add3A_247, %gather3A_253 : vector<16xf32>
      %mul3A_255 = arith.constant 0.00130208337 : f32
      %mul3A_256 = vector.broadcast %mul3A_255 : f32 to vector<16xf32>
      %mul3A_257 = arith.mulf %add3A_252, %mul3A_256 : vector<16xf32>
      %mul3A_258 = arith.constant 0.00130208337 : f32
      %mul3A_259 = vector.broadcast %mul3A_258 : f32 to vector<16xf32>
      %mul3A_260 = arith.mulf %add3A_254, %mul3A_259 : vector<16xf32>
      %mul3A_261 = arith.mulf %mul3A_257, %mul3A_257 : vector<16xf32>
      %sub3A = arith.subf %mul3A_260, %mul3A_261 : vector<16xf32>
      %add3A_262 = arith.constant 9.99999996E-13 : f32
      %add3A_263 = vector.broadcast %add3A_262 : f32 to vector<16xf32>
      %add3A_264 = arith.addf %sub3A, %add3A_263 : vector<16xf32>
      %bitcast3A = vector.bitcast %add3A_264 : vector<16xf32> to vector<16xi32>
      %shift_right_arithmetic3A = arith.constant 1 : i32
      %shift_right_arithmetic3A_265 = vector.broadcast %shift_right_arithmetic3A : i32 to vector<16xi32>
      %shift_right_arithmetic3A_266 = arith.shrsi %bitcast3A, %shift_right_arithmetic3A_265 : vector<16xi32>
      %sub3A_267 = arith.constant 1597463007 : i32
      %sub3A_268 = vector.broadcast %sub3A_267 : i32 to vector<16xi32>
      %sub3A_269 = arith.subi %sub3A_268, %shift_right_arithmetic3A_266 : vector<16xi32>
      %bitcast3A_270 = vector.bitcast %sub3A_269 : vector<16xi32> to vector<16xf32>
      %mul3A_271 = arith.constant 5.000000e-01 : f32
      %mul3A_272 = vector.broadcast %mul3A_271 : f32 to vector<16xf32>
      %mul3A_273 = arith.mulf %mul3A_272, %add3A_264 : vector<16xf32>
      %mul3A_274 = arith.mulf %mul3A_273, %bitcast3A_270 : vector<16xf32>
      %mul3A_275 = arith.mulf %mul3A_274, %bitcast3A_270 : vector<16xf32>
      %sub3A_276 = arith.constant 1.500000e+00 : f32
      %sub3A_277 = vector.broadcast %sub3A_276 : f32 to vector<16xf32>
      %sub3A_278 = arith.subf %sub3A_277, %mul3A_275 : vector<16xf32>
      %mul3A_279 = arith.mulf %bitcast3A_270, %sub3A_278 : vector<16xf32>
      %mul3A_280 = arith.constant 5.000000e-01 : f32
      %mul3A_281 = vector.broadcast %mul3A_280 : f32 to vector<16xf32>
      %mul3A_282 = arith.mulf %mul3A_281, %add3A_264 : vector<16xf32>
      %mul3A_283 = arith.mulf %mul3A_282, %mul3A_279 : vector<16xf32>
      %mul3A_284 = arith.mulf %mul3A_283, %mul3A_279 : vector<16xf32>
      %sub3A_285 = arith.constant 1.500000e+00 : f32
      %sub3A_286 = vector.broadcast %sub3A_285 : f32 to vector<16xf32>
      %sub3A_287 = arith.subf %sub3A_286, %mul3A_284 : vector<16xf32>
      %mul3A_288 = arith.mulf %mul3A_279, %sub3A_287 : vector<16xf32>
      %mul3A_289 = arith.constant 5.000000e-01 : f32
      %mul3A_290 = vector.broadcast %mul3A_289 : f32 to vector<16xf32>
      %mul3A_291 = arith.mulf %mul3A_290, %add3A_264 : vector<16xf32>
      %mul3A_292 = arith.mulf %mul3A_291, %mul3A_288 : vector<16xf32>
      %mul3A_293 = arith.mulf %mul3A_292, %mul3A_288 : vector<16xf32>
      %sub3A_294 = arith.constant 1.500000e+00 : f32
      %sub3A_295 = vector.broadcast %sub3A_294 : f32 to vector<16xf32>
      %sub3A_296 = arith.subf %sub3A_295, %mul3A_293 : vector<16xf32>
      %mul3A_297 = arith.mulf %mul3A_288, %sub3A_296 : vector<16xf32>
      %neg3A = arith.constant 0.000000e+00 : f32
      %neg3A_298 = vector.broadcast %neg3A : f32 to vector<16xf32>
      %neg3A_299 = arith.subf %neg3A_298, %mul3A_257 : vector<16xf32>
      %mul3A_300 = arith.mulf %neg3A_299, %mul3A_297 : vector<16xf32>
      %slice3A = vector.extract_strided_slice %mul3A_297 {offsets = [0], sizes = [1], strides = [1]} : vector<16xf32> to vector<1xf32>
      %squeeze3A = vector.extract %slice3A[0] : f32 from vector<1xf32>
      %swap3A = arith.constant 0 : i32
      %swap3A_301 = arith.index_cast %swap3A : i32 to index
      %swap3A_302 = memref.load %arg13[%swap3A_301] : memref<32xf32, #tpu.memory_space<smem>>
      memref.store %squeeze3A, %arg13[%swap3A_301] : memref<32xf32, #tpu.memory_space<smem>>
      %slice3A_303 = vector.extract_strided_slice %mul3A_300 {offsets = [0], sizes = [1], strides = [1]} : vector<16xf32> to vector<1xf32>
      %squeeze3A_304 = vector.extract %slice3A_303[0] : f32 from vector<1xf32>
      %swap3A_305 = arith.constant 0 : i32
      %swap3A_306 = arith.index_cast %swap3A_305 : i32 to index
      %swap3A_307 = memref.load %arg14[%swap3A_306] : memref<32xf32, #tpu.memory_space<smem>>
      memref.store %squeeze3A_304, %arg14[%swap3A_306] : memref<32xf32, #tpu.memory_space<smem>>
      %slice3A_308 = vector.extract_strided_slice %mul3A_297 {offsets = [1], sizes = [1], strides = [1]} : vector<16xf32> to vector<1xf32>
      %squeeze3A_309 = vector.extract %slice3A_308[0] : f32 from vector<1xf32>
      %swap3A_310 = arith.constant 1 : i32
      %swap3A_311 = arith.index_cast %swap3A_310 : i32 to index
      %swap3A_312 = memref.load %arg13[%swap3A_311] : memref<32xf32, #tpu.memory_space<smem>>
      memref.store %squeeze3A_309, %arg13[%swap3A_311] : memref<32xf32, #tpu.memory_space<smem>>
      %slice3A_313 = vector.extract_strided_slice %mul3A_300 {offsets = [1], sizes = [1], strides = [1]} : vector<16xf32> to vector<1xf32>
      %squeeze3A_314 = vector.extract %slice3A_313[0] : f32 from vector<1xf32>
      %swap3A_315 = arith.constant 1 : i32
      %swap3A_316 = arith.index_cast %swap3A_315 : i32 to index
      %swap3A_317 = memref.load %arg14[%swap3A_316] : memref<32xf32, #tpu.memory_space<smem>>
      memref.store %squeeze3A_314, %arg14[%swap3A_316] : memref<32xf32, #tpu.memory_space<smem>>
      %slice3A_318 = vector.extract_strided_slice %mul3A_297 {offsets = [2], sizes = [1], strides = [1]} : vector<16xf32> to vector<1xf32>
      %squeeze3A_319 = vector.extract %slice3A_318[0] : f32 from vector<1xf32>
      %swap3A_320 = arith.constant 2 : i32
      %swap3A_321 = arith.index_cast %swap3A_320 : i32 to index
      %swap3A_322 = memref.load %arg13[%swap3A_321] : memref<32xf32, #tpu.memory_space<smem>>
      memref.store %squeeze3A_319, %arg13[%swap3A_321] : memref<32xf32, #tpu.memory_space<smem>>
      %slice3A_323 = vector.extract_strided_slice %mul3A_300 {offsets = [2], sizes = [1], strides = [1]} : vector<16xf32> to vector<1xf32>
      %squeeze3A_324 = vector.extract %slice3A_323[0] : f32 from vector<1xf32>
      %swap3A_325 = arith.constant 2 : i32
      %swap3A_326 = arith.index_cast %swap3A_325 : i32 to index
      %swap3A_327 = memref.load %arg14[%swap3A_326] : memref<32xf32, #tpu.memory_space<smem>>
      memref.store %squeeze3A_324, %arg14[%swap3A_326] : memref<32xf32, #tpu.memory_space<smem>>
      %slice3A_328 = vector.extract_strided_slice %mul3A_297 {offsets = [3], sizes = [1], strides = [1]} : vector<16xf32> to vector<1xf32>
      %squeeze3A_329 = vector.extract %slice3A_328[0] : f32 from vector<1xf32>
      %swap3A_330 = arith.constant 3 : i32
      %swap3A_331 = arith.index_cast %swap3A_330 : i32 to index
      %swap3A_332 = memref.load %arg13[%swap3A_331] : memref<32xf32, #tpu.memory_space<smem>>
      memref.store %squeeze3A_329, %arg13[%swap3A_331] : memref<32xf32, #tpu.memory_space<smem>>
      %slice3A_333 = vector.extract_strided_slice %mul3A_300 {offsets = [3], sizes = [1], strides = [1]} : vector<16xf32> to vector<1xf32>
      %squeeze3A_334 = vector.extract %slice3A_333[0] : f32 from vector<1xf32>
      %swap3A_335 = arith.constant 3 : i32
      %swap3A_336 = arith.index_cast %swap3A_335 : i32 to index
      %swap3A_337 = memref.load %arg14[%swap3A_336] : memref<32xf32, #tpu.memory_space<smem>>
      memref.store %squeeze3A_334, %arg14[%swap3A_336] : memref<32xf32, #tpu.memory_space<smem>>
      %slice3A_338 = vector.extract_strided_slice %mul3A_297 {offsets = [4], sizes = [1], strides = [1]} : vector<16xf32> to vector<1xf32>
      %squeeze3A_339 = vector.extract %slice3A_338[0] : f32 from vector<1xf32>
      %swap3A_340 = arith.constant 4 : i32
      %swap3A_341 = arith.index_cast %swap3A_340 : i32 to index
      %swap3A_342 = memref.load %arg13[%swap3A_341] : memref<32xf32, #tpu.memory_space<smem>>
      memref.store %squeeze3A_339, %arg13[%swap3A_341] : memref<32xf32, #tpu.memory_space<smem>>
      %slice3A_343 = vector.extract_strided_slice %mul3A_300 {offsets = [4], sizes = [1], strides = [1]} : vector<16xf32> to vector<1xf32>
      %squeeze3A_344 = vector.extract %slice3A_343[0] : f32 from vector<1xf32>
      %swap3A_345 = arith.constant 4 : i32
      %swap3A_346 = arith.index_cast %swap3A_345 : i32 to index
      %swap3A_347 = memref.load %arg14[%swap3A_346] : memref<32xf32, #tpu.memory_space<smem>>
      memref.store %squeeze3A_344, %arg14[%swap3A_346] : memref<32xf32, #tpu.memory_space<smem>>
      %slice3A_348 = vector.extract_strided_slice %mul3A_297 {offsets = [5], sizes = [1], strides = [1]} : vector<16xf32> to vector<1xf32>
      %squeeze3A_349 = vector.extract %slice3A_348[0] : f32 from vector<1xf32>
      %swap3A_350 = arith.constant 5 : i32
      %swap3A_351 = arith.index_cast %swap3A_350 : i32 to index
      %swap3A_352 = memref.load %arg13[%swap3A_351] : memref<32xf32, #tpu.memory_space<smem>>
      memref.store %squeeze3A_349, %arg13[%swap3A_351] : memref<32xf32, #tpu.memory_space<smem>>
      %slice3A_353 = vector.extract_strided_slice %mul3A_300 {offsets = [5], sizes = [1], strides = [1]} : vector<16xf32> to vector<1xf32>
      %squeeze3A_354 = vector.extract %slice3A_353[0] : f32 from vector<1xf32>
      %swap3A_355 = arith.constant 5 : i32
      %swap3A_356 = arith.index_cast %swap3A_355 : i32 to index
      %swap3A_357 = memref.load %arg14[%swap3A_356] : memref<32xf32, #tpu.memory_space<smem>>
      memref.store %squeeze3A_354, %arg14[%swap3A_356] : memref<32xf32, #tpu.memory_space<smem>>
      %slice3A_358 = vector.extract_strided_slice %mul3A_297 {offsets = [6], sizes = [1], strides = [1]} : vector<16xf32> to vector<1xf32>
      %squeeze3A_359 = vector.extract %slice3A_358[0] : f32 from vector<1xf32>
      %swap3A_360 = arith.constant 6 : i32
      %swap3A_361 = arith.index_cast %swap3A_360 : i32 to index
      %swap3A_362 = memref.load %arg13[%swap3A_361] : memref<32xf32, #tpu.memory_space<smem>>
      memref.store %squeeze3A_359, %arg13[%swap3A_361] : memref<32xf32, #tpu.memory_space<smem>>
      %slice3A_363 = vector.extract_strided_slice %mul3A_300 {offsets = [6], sizes = [1], strides = [1]} : vector<16xf32> to vector<1xf32>
      %squeeze3A_364 = vector.extract %slice3A_363[0] : f32 from vector<1xf32>
      %swap3A_365 = arith.constant 6 : i32
      %swap3A_366 = arith.index_cast %swap3A_365 : i32 to index
      %swap3A_367 = memref.load %arg14[%swap3A_366] : memref<32xf32, #tpu.memory_space<smem>>
      memref.store %squeeze3A_364, %arg14[%swap3A_366] : memref<32xf32, #tpu.memory_space<smem>>
      %slice3A_368 = vector.extract_strided_slice %mul3A_297 {offsets = [7], sizes = [1], strides = [1]} : vector<16xf32> to vector<1xf32>
      %squeeze3A_369 = vector.extract %slice3A_368[0] : f32 from vector<1xf32>
      %swap3A_370 = arith.constant 7 : i32
      %swap3A_371 = arith.index_cast %swap3A_370 : i32 to index
      %swap3A_372 = memref.load %arg13[%swap3A_371] : memref<32xf32, #tpu.memory_space<smem>>
      memref.store %squeeze3A_369, %arg13[%swap3A_371] : memref<32xf32, #tpu.memory_space<smem>>
      %slice3A_373 = vector.extract_strided_slice %mul3A_300 {offsets = [7], sizes = [1], strides = [1]} : vector<16xf32> to vector<1xf32>
      %squeeze3A_374 = vector.extract %slice3A_373[0] : f32 from vector<1xf32>
      %swap3A_375 = arith.constant 7 : i32
      %swap3A_376 = arith.index_cast %swap3A_375 : i32 to index
      %swap3A_377 = memref.load %arg14[%swap3A_376] : memref<32xf32, #tpu.memory_space<smem>>
      memref.store %squeeze3A_374, %arg14[%swap3A_376] : memref<32xf32, #tpu.memory_space<smem>>
      %slice3A_378 = vector.extract_strided_slice %mul3A_297 {offsets = [8], sizes = [1], strides = [1]} : vector<16xf32> to vector<1xf32>
      %squeeze3A_379 = vector.extract %slice3A_378[0] : f32 from vector<1xf32>
      %swap3A_380 = arith.constant 8 : i32
      %swap3A_381 = arith.index_cast %swap3A_380 : i32 to index
      %swap3A_382 = memref.load %arg13[%swap3A_381] : memref<32xf32, #tpu.memory_space<smem>>
      memref.store %squeeze3A_379, %arg13[%swap3A_381] : memref<32xf32, #tpu.memory_space<smem>>
      %slice3A_383 = vector.extract_strided_slice %mul3A_300 {offsets = [8], sizes = [1], strides = [1]} : vector<16xf32> to vector<1xf32>
      %squeeze3A_384 = vector.extract %slice3A_383[0] : f32 from vector<1xf32>
      %swap3A_385 = arith.constant 8 : i32
      %swap3A_386 = arith.index_cast %swap3A_385 : i32 to index
      %swap3A_387 = memref.load %arg14[%swap3A_386] : memref<32xf32, #tpu.memory_space<smem>>
      memref.store %squeeze3A_384, %arg14[%swap3A_386] : memref<32xf32, #tpu.memory_space<smem>>
      %slice3A_388 = vector.extract_strided_slice %mul3A_297 {offsets = [9], sizes = [1], strides = [1]} : vector<16xf32> to vector<1xf32>
      %squeeze3A_389 = vector.extract %slice3A_388[0] : f32 from vector<1xf32>
      %swap3A_390 = arith.constant 9 : i32
      %swap3A_391 = arith.index_cast %swap3A_390 : i32 to index
      %swap3A_392 = memref.load %arg13[%swap3A_391] : memref<32xf32, #tpu.memory_space<smem>>
      memref.store %squeeze3A_389, %arg13[%swap3A_391] : memref<32xf32, #tpu.memory_space<smem>>
      %slice3A_393 = vector.extract_strided_slice %mul3A_300 {offsets = [9], sizes = [1], strides = [1]} : vector<16xf32> to vector<1xf32>
      %squeeze3A_394 = vector.extract %slice3A_393[0] : f32 from vector<1xf32>
      %swap3A_395 = arith.constant 9 : i32
      %swap3A_396 = arith.index_cast %swap3A_395 : i32 to index
      %swap3A_397 = memref.load %arg14[%swap3A_396] : memref<32xf32, #tpu.memory_space<smem>>
      memref.store %squeeze3A_394, %arg14[%swap3A_396] : memref<32xf32, #tpu.memory_space<smem>>
      %slice3A_398 = vector.extract_strided_slice %mul3A_297 {offsets = [10], sizes = [1], strides = [1]} : vector<16xf32> to vector<1xf32>
      %squeeze3A_399 = vector.extract %slice3A_398[0] : f32 from vector<1xf32>
      %swap3A_400 = arith.constant 10 : i32
      %swap3A_401 = arith.index_cast %swap3A_400 : i32 to index
      %swap3A_402 = memref.load %arg13[%swap3A_401] : memref<32xf32, #tpu.memory_space<smem>>
      memref.store %squeeze3A_399, %arg13[%swap3A_401] : memref<32xf32, #tpu.memory_space<smem>>
      %slice3A_403 = vector.extract_strided_slice %mul3A_300 {offsets = [10], sizes = [1], strides = [1]} : vector<16xf32> to vector<1xf32>
      %squeeze3A_404 = vector.extract %slice3A_403[0] : f32 from vector<1xf32>
      %swap3A_405 = arith.constant 10 : i32
      %swap3A_406 = arith.index_cast %swap3A_405 : i32 to index
      %swap3A_407 = memref.load %arg14[%swap3A_406] : memref<32xf32, #tpu.memory_space<smem>>
      memref.store %squeeze3A_404, %arg14[%swap3A_406] : memref<32xf32, #tpu.memory_space<smem>>
      %slice3A_408 = vector.extract_strided_slice %mul3A_297 {offsets = [11], sizes = [1], strides = [1]} : vector<16xf32> to vector<1xf32>
      %squeeze3A_409 = vector.extract %slice3A_408[0] : f32 from vector<1xf32>
      %swap3A_410 = arith.constant 11 : i32
      %swap3A_411 = arith.index_cast %swap3A_410 : i32 to index
      %swap3A_412 = memref.load %arg13[%swap3A_411] : memref<32xf32, #tpu.memory_space<smem>>
      memref.store %squeeze3A_409, %arg13[%swap3A_411] : memref<32xf32, #tpu.memory_space<smem>>
      %slice3A_413 = vector.extract_strided_slice %mul3A_300 {offsets = [11], sizes = [1], strides = [1]} : vector<16xf32> to vector<1xf32>
      %squeeze3A_414 = vector.extract %slice3A_413[0] : f32 from vector<1xf32>
      %swap3A_415 = arith.constant 11 : i32
      %swap3A_416 = arith.index_cast %swap3A_415 : i32 to index
      %swap3A_417 = memref.load %arg14[%swap3A_416] : memref<32xf32, #tpu.memory_space<smem>>
      memref.store %squeeze3A_414, %arg14[%swap3A_416] : memref<32xf32, #tpu.memory_space<smem>>
      %slice3A_418 = vector.extract_strided_slice %mul3A_297 {offsets = [12], sizes = [1], strides = [1]} : vector<16xf32> to vector<1xf32>
      %squeeze3A_419 = vector.extract %slice3A_418[0] : f32 from vector<1xf32>
      %swap3A_420 = arith.constant 12 : i32
      %swap3A_421 = arith.index_cast %swap3A_420 : i32 to index
      %swap3A_422 = memref.load %arg13[%swap3A_421] : memref<32xf32, #tpu.memory_space<smem>>
      memref.store %squeeze3A_419, %arg13[%swap3A_421] : memref<32xf32, #tpu.memory_space<smem>>
      %slice3A_423 = vector.extract_strided_slice %mul3A_300 {offsets = [12], sizes = [1], strides = [1]} : vector<16xf32> to vector<1xf32>
      %squeeze3A_424 = vector.extract %slice3A_423[0] : f32 from vector<1xf32>
      %swap3A_425 = arith.constant 12 : i32
      %swap3A_426 = arith.index_cast %swap3A_425 : i32 to index
      %swap3A_427 = memref.load %arg14[%swap3A_426] : memref<32xf32, #tpu.memory_space<smem>>
      memref.store %squeeze3A_424, %arg14[%swap3A_426] : memref<32xf32, #tpu.memory_space<smem>>
      %slice3A_428 = vector.extract_strided_slice %mul3A_297 {offsets = [13], sizes = [1], strides = [1]} : vector<16xf32> to vector<1xf32>
      %squeeze3A_429 = vector.extract %slice3A_428[0] : f32 from vector<1xf32>
      %swap3A_430 = arith.constant 13 : i32
      %swap3A_431 = arith.index_cast %swap3A_430 : i32 to index
      %swap3A_432 = memref.load %arg13[%swap3A_431] : memref<32xf32, #tpu.memory_space<smem>>
      memref.store %squeeze3A_429, %arg13[%swap3A_431] : memref<32xf32, #tpu.memory_space<smem>>
      %slice3A_433 = vector.extract_strided_slice %mul3A_300 {offsets = [13], sizes = [1], strides = [1]} : vector<16xf32> to vector<1xf32>
      %squeeze3A_434 = vector.extract %slice3A_433[0] : f32 from vector<1xf32>
      %swap3A_435 = arith.constant 13 : i32
      %swap3A_436 = arith.index_cast %swap3A_435 : i32 to index
      %swap3A_437 = memref.load %arg14[%swap3A_436] : memref<32xf32, #tpu.memory_space<smem>>
      memref.store %squeeze3A_434, %arg14[%swap3A_436] : memref<32xf32, #tpu.memory_space<smem>>
      %slice3A_438 = vector.extract_strided_slice %mul3A_297 {offsets = [14], sizes = [1], strides = [1]} : vector<16xf32> to vector<1xf32>
      %squeeze3A_439 = vector.extract %slice3A_438[0] : f32 from vector<1xf32>
      %swap3A_440 = arith.constant 14 : i32
      %swap3A_441 = arith.index_cast %swap3A_440 : i32 to index
      %swap3A_442 = memref.load %arg13[%swap3A_441] : memref<32xf32, #tpu.memory_space<smem>>
      memref.store %squeeze3A_439, %arg13[%swap3A_441] : memref<32xf32, #tpu.memory_space<smem>>
      %slice3A_443 = vector.extract_strided_slice %mul3A_300 {offsets = [14], sizes = [1], strides = [1]} : vector<16xf32> to vector<1xf32>
      %squeeze3A_444 = vector.extract %slice3A_443[0] : f32 from vector<1xf32>
      %swap3A_445 = arith.constant 14 : i32
      %swap3A_446 = arith.index_cast %swap3A_445 : i32 to index
      %swap3A_447 = memref.load %arg14[%swap3A_446] : memref<32xf32, #tpu.memory_space<smem>>
      memref.store %squeeze3A_444, %arg14[%swap3A_446] : memref<32xf32, #tpu.memory_space<smem>>
      %slice3A_448 = vector.extract_strided_slice %mul3A_297 {offsets = [15], sizes = [1], strides = [1]} : vector<16xf32> to vector<1xf32>
      %squeeze3A_449 = vector.extract %slice3A_448[0] : f32 from vector<1xf32>
      %swap3A_450 = arith.constant 15 : i32
      %swap3A_451 = arith.index_cast %swap3A_450 : i32 to index
      %swap3A_452 = memref.load %arg13[%swap3A_451] : memref<32xf32, #tpu.memory_space<smem>>
      memref.store %squeeze3A_449, %arg13[%swap3A_451] : memref<32xf32, #tpu.memory_space<smem>>
      %slice3A_453 = vector.extract_strided_slice %mul3A_300 {offsets = [15], sizes = [1], strides = [1]} : vector<16xf32> to vector<1xf32>
      %squeeze3A_454 = vector.extract %slice3A_453[0] : f32 from vector<1xf32>
      %swap3A_455 = arith.constant 15 : i32
      %swap3A_456 = arith.index_cast %swap3A_455 : i32 to index
      %swap3A_457 = memref.load %arg14[%swap3A_456] : memref<32xf32, #tpu.memory_space<smem>>
      memref.store %squeeze3A_454, %arg14[%swap3A_456] : memref<32xf32, #tpu.memory_space<smem>>
      %iota3A_458 = tpu.iota {dimensions = array<i32: 0>} : vector<16xi32>
      %add3A_459 = arith.constant 16 : i32
      %add3A_460 = vector.broadcast %add3A_459 : i32 to vector<16xi32>
      %add3A_461 = arith.addi %iota3A_458, %add3A_460 : vector<16xi32>
      %mul3A_462 = arith.constant 16 : i32
      %mul3A_463 = vector.broadcast %mul3A_462 : i32 to vector<16xi32>
      %mul3A_464 = arith.muli %add3A_461, %mul3A_463 : vector<16xi32>
      %broadcast_in_dim3A_465 = arith.constant 0.000000e+00 : f32
      %broadcast_in_dim3A_466 = vector.broadcast %broadcast_in_dim3A_465 : f32 to vector<16xf32>
      %broadcast_in_dim3A_467 = arith.constant 0.000000e+00 : f32
      %broadcast_in_dim3A_468 = vector.broadcast %broadcast_in_dim3A_467 : f32 to vector<16xf32>
      %add3A_469 = arith.constant 0 : i32
      %add3A_470 = vector.broadcast %add3A_469 : i32 to vector<16xi32>
      %add3A_471 = arith.addi %mul3A_464, %add3A_470 : vector<16xi32>
      %gather3A_472 = tpu.vector_load_idx %arg11[%add3A_471] : memref<512xf32, #tpu.memory_space<vmem>>[vector<16xi32>], vector<16xf32>,
      %add3A_473 = arith.addf %broadcast_in_dim3A_466, %gather3A_472 : vector<16xf32>
      %gather3A_474 = tpu.vector_load_idx %arg12[%add3A_471] : memref<512xf32, #tpu.memory_space<vmem>>[vector<16xi32>], vector<16xf32>,
      %add3A_475 = arith.addf %broadcast_in_dim3A_468, %gather3A_474 : vector<16xf32>
      %add3A_476 = arith.constant 1 : i32
      %add3A_477 = vector.broadcast %add3A_476 : i32 to vector<16xi32>
      %add3A_478 = arith.addi %mul3A_464, %add3A_477 : vector<16xi32>
      %gather3A_479 = tpu.vector_load_idx %arg11[%add3A_478] : memref<512xf32, #tpu.memory_space<vmem>>[vector<16xi32>], vector<16xf32>,
      %add3A_480 = arith.addf %add3A_473, %gather3A_479 : vector<16xf32>
      %gather3A_481 = tpu.vector_load_idx %arg12[%add3A_478] : memref<512xf32, #tpu.memory_space<vmem>>[vector<16xi32>], vector<16xf32>,
      %add3A_482 = arith.addf %add3A_475, %gather3A_481 : vector<16xf32>
      %add3A_483 = arith.constant 2 : i32
      %add3A_484 = vector.broadcast %add3A_483 : i32 to vector<16xi32>
      %add3A_485 = arith.addi %mul3A_464, %add3A_484 : vector<16xi32>
      %gather3A_486 = tpu.vector_load_idx %arg11[%add3A_485] : memref<512xf32, #tpu.memory_space<vmem>>[vector<16xi32>], vector<16xf32>,
      %add3A_487 = arith.addf %add3A_480, %gather3A_486 : vector<16xf32>
      %gather3A_488 = tpu.vector_load_idx %arg12[%add3A_485] : memref<512xf32, #tpu.memory_space<vmem>>[vector<16xi32>], vector<16xf32>,
      %add3A_489 = arith.addf %add3A_482, %gather3A_488 : vector<16xf32>
      %add3A_490 = arith.constant 3 : i32
      %add3A_491 = vector.broadcast %add3A_490 : i32 to vector<16xi32>
      %add3A_492 = arith.addi %mul3A_464, %add3A_491 : vector<16xi32>
      %gather3A_493 = tpu.vector_load_idx %arg11[%add3A_492] : memref<512xf32, #tpu.memory_space<vmem>>[vector<16xi32>], vector<16xf32>,
      %add3A_494 = arith.addf %add3A_487, %gather3A_493 : vector<16xf32>
      %gather3A_495 = tpu.vector_load_idx %arg12[%add3A_492] : memref<512xf32, #tpu.memory_space<vmem>>[vector<16xi32>], vector<16xf32>,
      %add3A_496 = arith.addf %add3A_489, %gather3A_495 : vector<16xf32>
      %add3A_497 = arith.constant 4 : i32
      %add3A_498 = vector.broadcast %add3A_497 : i32 to vector<16xi32>
      %add3A_499 = arith.addi %mul3A_464, %add3A_498 : vector<16xi32>
      %gather3A_500 = tpu.vector_load_idx %arg11[%add3A_499] : memref<512xf32, #tpu.memory_space<vmem>>[vector<16xi32>], vector<16xf32>,
      %add3A_501 = arith.addf %add3A_494, %gather3A_500 : vector<16xf32>
      %gather3A_502 = tpu.vector_load_idx %arg12[%add3A_499] : memref<512xf32, #tpu.memory_space<vmem>>[vector<16xi32>], vector<16xf32>,
      %add3A_503 = arith.addf %add3A_496, %gather3A_502 : vector<16xf32>
      %add3A_504 = arith.constant 5 : i32
      %add3A_505 = vector.broadcast %add3A_504 : i32 to vector<16xi32>
      %add3A_506 = arith.addi %mul3A_464, %add3A_505 : vector<16xi32>
      %gather3A_507 = tpu.vector_load_idx %arg11[%add3A_506] : memref<512xf32, #tpu.memory_space<vmem>>[vector<16xi32>], vector<16xf32>,
      %add3A_508 = arith.addf %add3A_501, %gather3A_507 : vector<16xf32>
      %gather3A_509 = tpu.vector_load_idx %arg12[%add3A_506] : memref<512xf32, #tpu.memory_space<vmem>>[vector<16xi32>], vector<16xf32>,
      %add3A_510 = arith.addf %add3A_503, %gather3A_509 : vector<16xf32>
      %add3A_511 = arith.constant 6 : i32
      %add3A_512 = vector.broadcast %add3A_511 : i32 to vector<16xi32>
      %add3A_513 = arith.addi %mul3A_464, %add3A_512 : vector<16xi32>
      %gather3A_514 = tpu.vector_load_idx %arg11[%add3A_513] : memref<512xf32, #tpu.memory_space<vmem>>[vector<16xi32>], vector<16xf32>,
      %add3A_515 = arith.addf %add3A_508, %gather3A_514 : vector<16xf32>
      %gather3A_516 = tpu.vector_load_idx %arg12[%add3A_513] : memref<512xf32, #tpu.memory_space<vmem>>[vector<16xi32>], vector<16xf32>,
      %add3A_517 = arith.addf %add3A_510, %gather3A_516 : vector<16xf32>
      %add3A_518 = arith.constant 7 : i32
      %add3A_519 = vector.broadcast %add3A_518 : i32 to vector<16xi32>
      %add3A_520 = arith.addi %mul3A_464, %add3A_519 : vector<16xi32>
      %gather3A_521 = tpu.vector_load_idx %arg11[%add3A_520] : memref<512xf32, #tpu.memory_space<vmem>>[vector<16xi32>], vector<16xf32>,
      %add3A_522 = arith.addf %add3A_515, %gather3A_521 : vector<16xf32>
      %gather3A_523 = tpu.vector_load_idx %arg12[%add3A_520] : memref<512xf32, #tpu.memory_space<vmem>>[vector<16xi32>], vector<16xf32>,
      %add3A_524 = arith.addf %add3A_517, %gather3A_523 : vector<16xf32>
      %add3A_525 = arith.constant 8 : i32
      %add3A_526 = vector.broadcast %add3A_525 : i32 to vector<16xi32>
      %add3A_527 = arith.addi %mul3A_464, %add3A_526 : vector<16xi32>
      %gather3A_528 = tpu.vector_load_idx %arg11[%add3A_527] : memref<512xf32, #tpu.memory_space<vmem>>[vector<16xi32>], vector<16xf32>,
      %add3A_529 = arith.addf %add3A_522, %gather3A_528 : vector<16xf32>
      %gather3A_530 = tpu.vector_load_idx %arg12[%add3A_527] : memref<512xf32, #tpu.memory_space<vmem>>[vector<16xi32>], vector<16xf32>,
      %add3A_531 = arith.addf %add3A_524, %gather3A_530 : vector<16xf32>
      %add3A_532 = arith.constant 9 : i32
      %add3A_533 = vector.broadcast %add3A_532 : i32 to vector<16xi32>
      %add3A_534 = arith.addi %mul3A_464, %add3A_533 : vector<16xi32>
      %gather3A_535 = tpu.vector_load_idx %arg11[%add3A_534] : memref<512xf32, #tpu.memory_space<vmem>>[vector<16xi32>], vector<16xf32>,
      %add3A_536 = arith.addf %add3A_529, %gather3A_535 : vector<16xf32>
      %gather3A_537 = tpu.vector_load_idx %arg12[%add3A_534] : memref<512xf32, #tpu.memory_space<vmem>>[vector<16xi32>], vector<16xf32>,
      %add3A_538 = arith.addf %add3A_531, %gather3A_537 : vector<16xf32>
      %add3A_539 = arith.constant 10 : i32
      %add3A_540 = vector.broadcast %add3A_539 : i32 to vector<16xi32>
      %add3A_541 = arith.addi %mul3A_464, %add3A_540 : vector<16xi32>
      %gather3A_542 = tpu.vector_load_idx %arg11[%add3A_541] : memref<512xf32, #tpu.memory_space<vmem>>[vector<16xi32>], vector<16xf32>,
      %add3A_543 = arith.addf %add3A_536, %gather3A_542 : vector<16xf32>
      %gather3A_544 = tpu.vector_load_idx %arg12[%add3A_541] : memref<512xf32, #tpu.memory_space<vmem>>[vector<16xi32>], vector<16xf32>,
      %add3A_545 = arith.addf %add3A_538, %gather3A_544 : vector<16xf32>
      %add3A_546 = arith.constant 11 : i32
      %add3A_547 = vector.broadcast %add3A_546 : i32 to vector<16xi32>
      %add3A_548 = arith.addi %mul3A_464, %add3A_547 : vector<16xi32>
      %gather3A_549 = tpu.vector_load_idx %arg11[%add3A_548] : memref<512xf32, #tpu.memory_space<vmem>>[vector<16xi32>], vector<16xf32>,
      %add3A_550 = arith.addf %add3A_543, %gather3A_549 : vector<16xf32>
      %gather3A_551 = tpu.vector_load_idx %arg12[%add3A_548] : memref<512xf32, #tpu.memory_space<vmem>>[vector<16xi32>], vector<16xf32>,
      %add3A_552 = arith.addf %add3A_545, %gather3A_551 : vector<16xf32>
      %add3A_553 = arith.constant 12 : i32
      %add3A_554 = vector.broadcast %add3A_553 : i32 to vector<16xi32>
      %add3A_555 = arith.addi %mul3A_464, %add3A_554 : vector<16xi32>
      %gather3A_556 = tpu.vector_load_idx %arg11[%add3A_555] : memref<512xf32, #tpu.memory_space<vmem>>[vector<16xi32>], vector<16xf32>,
      %add3A_557 = arith.addf %add3A_550, %gather3A_556 : vector<16xf32>
      %gather3A_558 = tpu.vector_load_idx %arg12[%add3A_555] : memref<512xf32, #tpu.memory_space<vmem>>[vector<16xi32>], vector<16xf32>,
      %add3A_559 = arith.addf %add3A_552, %gather3A_558 : vector<16xf32>
      %add3A_560 = arith.constant 13 : i32
      %add3A_561 = vector.broadcast %add3A_560 : i32 to vector<16xi32>
      %add3A_562 = arith.addi %mul3A_464, %add3A_561 : vector<16xi32>
      %gather3A_563 = tpu.vector_load_idx %arg11[%add3A_562] : memref<512xf32, #tpu.memory_space<vmem>>[vector<16xi32>], vector<16xf32>,
      %add3A_564 = arith.addf %add3A_557, %gather3A_563 : vector<16xf32>
      %gather3A_565 = tpu.vector_load_idx %arg12[%add3A_562] : memref<512xf32, #tpu.memory_space<vmem>>[vector<16xi32>], vector<16xf32>,
      %add3A_566 = arith.addf %add3A_559, %gather3A_565 : vector<16xf32>
      %add3A_567 = arith.constant 14 : i32
      %add3A_568 = vector.broadcast %add3A_567 : i32 to vector<16xi32>
      %add3A_569 = arith.addi %mul3A_464, %add3A_568 : vector<16xi32>
      %gather3A_570 = tpu.vector_load_idx %arg11[%add3A_569] : memref<512xf32, #tpu.memory_space<vmem>>[vector<16xi32>], vector<16xf32>,
      %add3A_571 = arith.addf %add3A_564, %gather3A_570 : vector<16xf32>
      %gather3A_572 = tpu.vector_load_idx %arg12[%add3A_569] : memref<512xf32, #tpu.memory_space<vmem>>[vector<16xi32>], vector<16xf32>,
      %add3A_573 = arith.addf %add3A_566, %gather3A_572 : vector<16xf32>
      %add3A_574 = arith.constant 15 : i32
      %add3A_575 = vector.broadcast %add3A_574 : i32 to vector<16xi32>
      %add3A_576 = arith.addi %mul3A_464, %add3A_575 : vector<16xi32>
      %gather3A_577 = tpu.vector_load_idx %arg11[%add3A_576] : memref<512xf32, #tpu.memory_space<vmem>>[vector<16xi32>], vector<16xf32>,
      %add3A_578 = arith.addf %add3A_571, %gather3A_577 : vector<16xf32>
      %gather3A_579 = tpu.vector_load_idx %arg12[%add3A_576] : memref<512xf32, #tpu.memory_space<vmem>>[vector<16xi32>], vector<16xf32>,
      %add3A_580 = arith.addf %add3A_573, %gather3A_579 : vector<16xf32>
      %mul3A_581 = arith.constant 0.00130208337 : f32
      %mul3A_582 = vector.broadcast %mul3A_581 : f32 to vector<16xf32>
      %mul3A_583 = arith.mulf %add3A_578, %mul3A_582 : vector<16xf32>
      %mul3A_584 = arith.constant 0.00130208337 : f32
      %mul3A_585 = vector.broadcast %mul3A_584 : f32 to vector<16xf32>
      %mul3A_586 = arith.mulf %add3A_580, %mul3A_585 : vector<16xf32>
      %mul3A_587 = arith.mulf %mul3A_583, %mul3A_583 : vector<16xf32>
      %sub3A_588 = arith.subf %mul3A_586, %mul3A_587 : vector<16xf32>
      %add3A_589 = arith.constant 9.99999996E-13 : f32
      %add3A_590 = vector.broadcast %add3A_589 : f32 to vector<16xf32>
      %add3A_591 = arith.addf %sub3A_588, %add3A_590 : vector<16xf32>
      %bitcast3A_592 = vector.bitcast %add3A_591 : vector<16xf32> to vector<16xi32>
      %shift_right_arithmetic3A_593 = arith.constant 1 : i32
      %shift_right_arithmetic3A_594 = vector.broadcast %shift_right_arithmetic3A_593 : i32 to vector<16xi32>
      %shift_right_arithmetic3A_595 = arith.shrsi %bitcast3A_592, %shift_right_arithmetic3A_594 : vector<16xi32>
      %sub3A_596 = arith.constant 1597463007 : i32
      %sub3A_597 = vector.broadcast %sub3A_596 : i32 to vector<16xi32>
      %sub3A_598 = arith.subi %sub3A_597, %shift_right_arithmetic3A_595 : vector<16xi32>
      %bitcast3A_599 = vector.bitcast %sub3A_598 : vector<16xi32> to vector<16xf32>
      %mul3A_600 = arith.constant 5.000000e-01 : f32
      %mul3A_601 = vector.broadcast %mul3A_600 : f32 to vector<16xf32>
      %mul3A_602 = arith.mulf %mul3A_601, %add3A_591 : vector<16xf32>
      %mul3A_603 = arith.mulf %mul3A_602, %bitcast3A_599 : vector<16xf32>
      %mul3A_604 = arith.mulf %mul3A_603, %bitcast3A_599 : vector<16xf32>
      %sub3A_605 = arith.constant 1.500000e+00 : f32
      %sub3A_606 = vector.broadcast %sub3A_605 : f32 to vector<16xf32>
      %sub3A_607 = arith.subf %sub3A_606, %mul3A_604 : vector<16xf32>
      %mul3A_608 = arith.mulf %bitcast3A_599, %sub3A_607 : vector<16xf32>
      %mul3A_609 = arith.constant 5.000000e-01 : f32
      %mul3A_610 = vector.broadcast %mul3A_609 : f32 to vector<16xf32>
      %mul3A_611 = arith.mulf %mul3A_610, %add3A_591 : vector<16xf32>
      %mul3A_612 = arith.mulf %mul3A_611, %mul3A_608 : vector<16xf32>
      %mul3A_613 = arith.mulf %mul3A_612, %mul3A_608 : vector<16xf32>
      %sub3A_614 = arith.constant 1.500000e+00 : f32
      %sub3A_615 = vector.broadcast %sub3A_614 : f32 to vector<16xf32>
      %sub3A_616 = arith.subf %sub3A_615, %mul3A_613 : vector<16xf32>
      %mul3A_617 = arith.mulf %mul3A_608, %sub3A_616 : vector<16xf32>
      %mul3A_618 = arith.constant 5.000000e-01 : f32
      %mul3A_619 = vector.broadcast %mul3A_618 : f32 to vector<16xf32>
      %mul3A_620 = arith.mulf %mul3A_619, %add3A_591 : vector<16xf32>
      %mul3A_621 = arith.mulf %mul3A_620, %mul3A_617 : vector<16xf32>
      %mul3A_622 = arith.mulf %mul3A_621, %mul3A_617 : vector<16xf32>
      %sub3A_623 = arith.constant 1.500000e+00 : f32
      %sub3A_624 = vector.broadcast %sub3A_623 : f32 to vector<16xf32>
      %sub3A_625 = arith.subf %sub3A_624, %mul3A_622 : vector<16xf32>
      %mul3A_626 = arith.mulf %mul3A_617, %sub3A_625 : vector<16xf32>
      %neg3A_627 = arith.constant 0.000000e+00 : f32
      %neg3A_628 = vector.broadcast %neg3A_627 : f32 to vector<16xf32>
      %neg3A_629 = arith.subf %neg3A_628, %mul3A_583 : vector<16xf32>
      %mul3A_630 = arith.mulf %neg3A_629, %mul3A_626 : vector<16xf32>
      %slice3A_631 = vector.extract_strided_slice %mul3A_626 {offsets = [0], sizes = [1], strides = [1]} : vector<16xf32> to vector<1xf32>
      %squeeze3A_632 = vector.extract %slice3A_631[0] : f32 from vector<1xf32>
      %swap3A_633 = arith.constant 16 : i32
      %swap3A_634 = arith.index_cast %swap3A_633 : i32 to index
      %swap3A_635 = memref.load %arg13[%swap3A_634] : memref<32xf32, #tpu.memory_space<smem>>
      memref.store %squeeze3A_632, %arg13[%swap3A_634] : memref<32xf32, #tpu.memory_space<smem>>
      %slice3A_636 = vector.extract_strided_slice %mul3A_630 {offsets = [0], sizes = [1], strides = [1]} : vector<16xf32> to vector<1xf32>
      %squeeze3A_637 = vector.extract %slice3A_636[0] : f32 from vector<1xf32>
      %swap3A_638 = arith.constant 16 : i32
      %swap3A_639 = arith.index_cast %swap3A_638 : i32 to index
      %swap3A_640 = memref.load %arg14[%swap3A_639] : memref<32xf32, #tpu.memory_space<smem>>
      memref.store %squeeze3A_637, %arg14[%swap3A_639] : memref<32xf32, #tpu.memory_space<smem>>
      %slice3A_641 = vector.extract_strided_slice %mul3A_626 {offsets = [1], sizes = [1], strides = [1]} : vector<16xf32> to vector<1xf32>
      %squeeze3A_642 = vector.extract %slice3A_641[0] : f32 from vector<1xf32>
      %swap3A_643 = arith.constant 17 : i32
      %swap3A_644 = arith.index_cast %swap3A_643 : i32 to index
      %swap3A_645 = memref.load %arg13[%swap3A_644] : memref<32xf32, #tpu.memory_space<smem>>
      memref.store %squeeze3A_642, %arg13[%swap3A_644] : memref<32xf32, #tpu.memory_space<smem>>
      %slice3A_646 = vector.extract_strided_slice %mul3A_630 {offsets = [1], sizes = [1], strides = [1]} : vector<16xf32> to vector<1xf32>
      %squeeze3A_647 = vector.extract %slice3A_646[0] : f32 from vector<1xf32>
      %swap3A_648 = arith.constant 17 : i32
      %swap3A_649 = arith.index_cast %swap3A_648 : i32 to index
      %swap3A_650 = memref.load %arg14[%swap3A_649] : memref<32xf32, #tpu.memory_space<smem>>
      memref.store %squeeze3A_647, %arg14[%swap3A_649] : memref<32xf32, #tpu.memory_space<smem>>
      %slice3A_651 = vector.extract_strided_slice %mul3A_626 {offsets = [2], sizes = [1], strides = [1]} : vector<16xf32> to vector<1xf32>
      %squeeze3A_652 = vector.extract %slice3A_651[0] : f32 from vector<1xf32>
      %swap3A_653 = arith.constant 18 : i32
      %swap3A_654 = arith.index_cast %swap3A_653 : i32 to index
      %swap3A_655 = memref.load %arg13[%swap3A_654] : memref<32xf32, #tpu.memory_space<smem>>
      memref.store %squeeze3A_652, %arg13[%swap3A_654] : memref<32xf32, #tpu.memory_space<smem>>
      %slice3A_656 = vector.extract_strided_slice %mul3A_630 {offsets = [2], sizes = [1], strides = [1]} : vector<16xf32> to vector<1xf32>
      %squeeze3A_657 = vector.extract %slice3A_656[0] : f32 from vector<1xf32>
      %swap3A_658 = arith.constant 18 : i32
      %swap3A_659 = arith.index_cast %swap3A_658 : i32 to index
      %swap3A_660 = memref.load %arg14[%swap3A_659] : memref<32xf32, #tpu.memory_space<smem>>
      memref.store %squeeze3A_657, %arg14[%swap3A_659] : memref<32xf32, #tpu.memory_space<smem>>
      %slice3A_661 = vector.extract_strided_slice %mul3A_626 {offsets = [3], sizes = [1], strides = [1]} : vector<16xf32> to vector<1xf32>
      %squeeze3A_662 = vector.extract %slice3A_661[0] : f32 from vector<1xf32>
      %swap3A_663 = arith.constant 19 : i32
      %swap3A_664 = arith.index_cast %swap3A_663 : i32 to index
      %swap3A_665 = memref.load %arg13[%swap3A_664] : memref<32xf32, #tpu.memory_space<smem>>
      memref.store %squeeze3A_662, %arg13[%swap3A_664] : memref<32xf32, #tpu.memory_space<smem>>
      %slice3A_666 = vector.extract_strided_slice %mul3A_630 {offsets = [3], sizes = [1], strides = [1]} : vector<16xf32> to vector<1xf32>
      %squeeze3A_667 = vector.extract %slice3A_666[0] : f32 from vector<1xf32>
      %swap3A_668 = arith.constant 19 : i32
      %swap3A_669 = arith.index_cast %swap3A_668 : i32 to index
      %swap3A_670 = memref.load %arg14[%swap3A_669] : memref<32xf32, #tpu.memory_space<smem>>
      memref.store %squeeze3A_667, %arg14[%swap3A_669] : memref<32xf32, #tpu.memory_space<smem>>
      %slice3A_671 = vector.extract_strided_slice %mul3A_626 {offsets = [4], sizes = [1], strides = [1]} : vector<16xf32> to vector<1xf32>
      %squeeze3A_672 = vector.extract %slice3A_671[0] : f32 from vector<1xf32>
      %swap3A_673 = arith.constant 20 : i32
      %swap3A_674 = arith.index_cast %swap3A_673 : i32 to index
      %swap3A_675 = memref.load %arg13[%swap3A_674] : memref<32xf32, #tpu.memory_space<smem>>
      memref.store %squeeze3A_672, %arg13[%swap3A_674] : memref<32xf32, #tpu.memory_space<smem>>
      %slice3A_676 = vector.extract_strided_slice %mul3A_630 {offsets = [4], sizes = [1], strides = [1]} : vector<16xf32> to vector<1xf32>
      %squeeze3A_677 = vector.extract %slice3A_676[0] : f32 from vector<1xf32>
      %swap3A_678 = arith.constant 20 : i32
      %swap3A_679 = arith.index_cast %swap3A_678 : i32 to index
      %swap3A_680 = memref.load %arg14[%swap3A_679] : memref<32xf32, #tpu.memory_space<smem>>
      memref.store %squeeze3A_677, %arg14[%swap3A_679] : memref<32xf32, #tpu.memory_space<smem>>
      %slice3A_681 = vector.extract_strided_slice %mul3A_626 {offsets = [5], sizes = [1], strides = [1]} : vector<16xf32> to vector<1xf32>
      %squeeze3A_682 = vector.extract %slice3A_681[0] : f32 from vector<1xf32>
      %swap3A_683 = arith.constant 21 : i32
      %swap3A_684 = arith.index_cast %swap3A_683 : i32 to index
      %swap3A_685 = memref.load %arg13[%swap3A_684] : memref<32xf32, #tpu.memory_space<smem>>
      memref.store %squeeze3A_682, %arg13[%swap3A_684] : memref<32xf32, #tpu.memory_space<smem>>
      %slice3A_686 = vector.extract_strided_slice %mul3A_630 {offsets = [5], sizes = [1], strides = [1]} : vector<16xf32> to vector<1xf32>
      %squeeze3A_687 = vector.extract %slice3A_686[0] : f32 from vector<1xf32>
      %swap3A_688 = arith.constant 21 : i32
      %swap3A_689 = arith.index_cast %swap3A_688 : i32 to index
      %swap3A_690 = memref.load %arg14[%swap3A_689] : memref<32xf32, #tpu.memory_space<smem>>
      memref.store %squeeze3A_687, %arg14[%swap3A_689] : memref<32xf32, #tpu.memory_space<smem>>
      %slice3A_691 = vector.extract_strided_slice %mul3A_626 {offsets = [6], sizes = [1], strides = [1]} : vector<16xf32> to vector<1xf32>
      %squeeze3A_692 = vector.extract %slice3A_691[0] : f32 from vector<1xf32>
      %swap3A_693 = arith.constant 22 : i32
      %swap3A_694 = arith.index_cast %swap3A_693 : i32 to index
      %swap3A_695 = memref.load %arg13[%swap3A_694] : memref<32xf32, #tpu.memory_space<smem>>
      memref.store %squeeze3A_692, %arg13[%swap3A_694] : memref<32xf32, #tpu.memory_space<smem>>
      %slice3A_696 = vector.extract_strided_slice %mul3A_630 {offsets = [6], sizes = [1], strides = [1]} : vector<16xf32> to vector<1xf32>
      %squeeze3A_697 = vector.extract %slice3A_696[0] : f32 from vector<1xf32>
      %swap3A_698 = arith.constant 22 : i32
      %swap3A_699 = arith.index_cast %swap3A_698 : i32 to index
      %swap3A_700 = memref.load %arg14[%swap3A_699] : memref<32xf32, #tpu.memory_space<smem>>
      memref.store %squeeze3A_697, %arg14[%swap3A_699] : memref<32xf32, #tpu.memory_space<smem>>
      %slice3A_701 = vector.extract_strided_slice %mul3A_626 {offsets = [7], sizes = [1], strides = [1]} : vector<16xf32> to vector<1xf32>
      %squeeze3A_702 = vector.extract %slice3A_701[0] : f32 from vector<1xf32>
      %swap3A_703 = arith.constant 23 : i32
      %swap3A_704 = arith.index_cast %swap3A_703 : i32 to index
      %swap3A_705 = memref.load %arg13[%swap3A_704] : memref<32xf32, #tpu.memory_space<smem>>
      memref.store %squeeze3A_702, %arg13[%swap3A_704] : memref<32xf32, #tpu.memory_space<smem>>
      %slice3A_706 = vector.extract_strided_slice %mul3A_630 {offsets = [7], sizes = [1], strides = [1]} : vector<16xf32> to vector<1xf32>
      %squeeze3A_707 = vector.extract %slice3A_706[0] : f32 from vector<1xf32>
      %swap3A_708 = arith.constant 23 : i32
      %swap3A_709 = arith.index_cast %swap3A_708 : i32 to index
      %swap3A_710 = memref.load %arg14[%swap3A_709] : memref<32xf32, #tpu.memory_space<smem>>
      memref.store %squeeze3A_707, %arg14[%swap3A_709] : memref<32xf32, #tpu.memory_space<smem>>
      %slice3A_711 = vector.extract_strided_slice %mul3A_626 {offsets = [8], sizes = [1], strides = [1]} : vector<16xf32> to vector<1xf32>
      %squeeze3A_712 = vector.extract %slice3A_711[0] : f32 from vector<1xf32>
      %swap3A_713 = arith.constant 24 : i32
      %swap3A_714 = arith.index_cast %swap3A_713 : i32 to index
      %swap3A_715 = memref.load %arg13[%swap3A_714] : memref<32xf32, #tpu.memory_space<smem>>
      memref.store %squeeze3A_712, %arg13[%swap3A_714] : memref<32xf32, #tpu.memory_space<smem>>
      %slice3A_716 = vector.extract_strided_slice %mul3A_630 {offsets = [8], sizes = [1], strides = [1]} : vector<16xf32> to vector<1xf32>
      %squeeze3A_717 = vector.extract %slice3A_716[0] : f32 from vector<1xf32>
      %swap3A_718 = arith.constant 24 : i32
      %swap3A_719 = arith.index_cast %swap3A_718 : i32 to index
      %swap3A_720 = memref.load %arg14[%swap3A_719] : memref<32xf32, #tpu.memory_space<smem>>
      memref.store %squeeze3A_717, %arg14[%swap3A_719] : memref<32xf32, #tpu.memory_space<smem>>
      %slice3A_721 = vector.extract_strided_slice %mul3A_626 {offsets = [9], sizes = [1], strides = [1]} : vector<16xf32> to vector<1xf32>
      %squeeze3A_722 = vector.extract %slice3A_721[0] : f32 from vector<1xf32>
      %swap3A_723 = arith.constant 25 : i32
      %swap3A_724 = arith.index_cast %swap3A_723 : i32 to index
      %swap3A_725 = memref.load %arg13[%swap3A_724] : memref<32xf32, #tpu.memory_space<smem>>
      memref.store %squeeze3A_722, %arg13[%swap3A_724] : memref<32xf32, #tpu.memory_space<smem>>
      %slice3A_726 = vector.extract_strided_slice %mul3A_630 {offsets = [9], sizes = [1], strides = [1]} : vector<16xf32> to vector<1xf32>
      %squeeze3A_727 = vector.extract %slice3A_726[0] : f32 from vector<1xf32>
      %swap3A_728 = arith.constant 25 : i32
      %swap3A_729 = arith.index_cast %swap3A_728 : i32 to index
      %swap3A_730 = memref.load %arg14[%swap3A_729] : memref<32xf32, #tpu.memory_space<smem>>
      memref.store %squeeze3A_727, %arg14[%swap3A_729] : memref<32xf32, #tpu.memory_space<smem>>
      %slice3A_731 = vector.extract_strided_slice %mul3A_626 {offsets = [10], sizes = [1], strides = [1]} : vector<16xf32> to vector<1xf32>
      %squeeze3A_732 = vector.extract %slice3A_731[0] : f32 from vector<1xf32>
      %swap3A_733 = arith.constant 26 : i32
      %swap3A_734 = arith.index_cast %swap3A_733 : i32 to index
      %swap3A_735 = memref.load %arg13[%swap3A_734] : memref<32xf32, #tpu.memory_space<smem>>
      memref.store %squeeze3A_732, %arg13[%swap3A_734] : memref<32xf32, #tpu.memory_space<smem>>
      %slice3A_736 = vector.extract_strided_slice %mul3A_630 {offsets = [10], sizes = [1], strides = [1]} : vector<16xf32> to vector<1xf32>
      %squeeze3A_737 = vector.extract %slice3A_736[0] : f32 from vector<1xf32>
      %swap3A_738 = arith.constant 26 : i32
      %swap3A_739 = arith.index_cast %swap3A_738 : i32 to index
      %swap3A_740 = memref.load %arg14[%swap3A_739] : memref<32xf32, #tpu.memory_space<smem>>
      memref.store %squeeze3A_737, %arg14[%swap3A_739] : memref<32xf32, #tpu.memory_space<smem>>
      %slice3A_741 = vector.extract_strided_slice %mul3A_626 {offsets = [11], sizes = [1], strides = [1]} : vector<16xf32> to vector<1xf32>
      %squeeze3A_742 = vector.extract %slice3A_741[0] : f32 from vector<1xf32>
      %swap3A_743 = arith.constant 27 : i32
      %swap3A_744 = arith.index_cast %swap3A_743 : i32 to index
      %swap3A_745 = memref.load %arg13[%swap3A_744] : memref<32xf32, #tpu.memory_space<smem>>
      memref.store %squeeze3A_742, %arg13[%swap3A_744] : memref<32xf32, #tpu.memory_space<smem>>
      %slice3A_746 = vector.extract_strided_slice %mul3A_630 {offsets = [11], sizes = [1], strides = [1]} : vector<16xf32> to vector<1xf32>
      %squeeze3A_747 = vector.extract %slice3A_746[0] : f32 from vector<1xf32>
      %swap3A_748 = arith.constant 27 : i32
      %swap3A_749 = arith.index_cast %swap3A_748 : i32 to index
      %swap3A_750 = memref.load %arg14[%swap3A_749] : memref<32xf32, #tpu.memory_space<smem>>
      memref.store %squeeze3A_747, %arg14[%swap3A_749] : memref<32xf32, #tpu.memory_space<smem>>
      %slice3A_751 = vector.extract_strided_slice %mul3A_626 {offsets = [12], sizes = [1], strides = [1]} : vector<16xf32> to vector<1xf32>
      %squeeze3A_752 = vector.extract %slice3A_751[0] : f32 from vector<1xf32>
      %swap3A_753 = arith.constant 28 : i32
      %swap3A_754 = arith.index_cast %swap3A_753 : i32 to index
      %swap3A_755 = memref.load %arg13[%swap3A_754] : memref<32xf32, #tpu.memory_space<smem>>
      memref.store %squeeze3A_752, %arg13[%swap3A_754] : memref<32xf32, #tpu.memory_space<smem>>
      %slice3A_756 = vector.extract_strided_slice %mul3A_630 {offsets = [12], sizes = [1], strides = [1]} : vector<16xf32> to vector<1xf32>
      %squeeze3A_757 = vector.extract %slice3A_756[0] : f32 from vector<1xf32>
      %swap3A_758 = arith.constant 28 : i32
      %swap3A_759 = arith.index_cast %swap3A_758 : i32 to index
      %swap3A_760 = memref.load %arg14[%swap3A_759] : memref<32xf32, #tpu.memory_space<smem>>
      memref.store %squeeze3A_757, %arg14[%swap3A_759] : memref<32xf32, #tpu.memory_space<smem>>
      %slice3A_761 = vector.extract_strided_slice %mul3A_626 {offsets = [13], sizes = [1], strides = [1]} : vector<16xf32> to vector<1xf32>
      %squeeze3A_762 = vector.extract %slice3A_761[0] : f32 from vector<1xf32>
      %swap3A_763 = arith.constant 29 : i32
      %swap3A_764 = arith.index_cast %swap3A_763 : i32 to index
      %swap3A_765 = memref.load %arg13[%swap3A_764] : memref<32xf32, #tpu.memory_space<smem>>
      memref.store %squeeze3A_762, %arg13[%swap3A_764] : memref<32xf32, #tpu.memory_space<smem>>
      %slice3A_766 = vector.extract_strided_slice %mul3A_630 {offsets = [13], sizes = [1], strides = [1]} : vector<16xf32> to vector<1xf32>
      %squeeze3A_767 = vector.extract %slice3A_766[0] : f32 from vector<1xf32>
      %swap3A_768 = arith.constant 29 : i32
      %swap3A_769 = arith.index_cast %swap3A_768 : i32 to index
      %swap3A_770 = memref.load %arg14[%swap3A_769] : memref<32xf32, #tpu.memory_space<smem>>
      memref.store %squeeze3A_767, %arg14[%swap3A_769] : memref<32xf32, #tpu.memory_space<smem>>
      %slice3A_771 = vector.extract_strided_slice %mul3A_626 {offsets = [14], sizes = [1], strides = [1]} : vector<16xf32> to vector<1xf32>
      %squeeze3A_772 = vector.extract %slice3A_771[0] : f32 from vector<1xf32>
      %swap3A_773 = arith.constant 30 : i32
      %swap3A_774 = arith.index_cast %swap3A_773 : i32 to index
      %swap3A_775 = memref.load %arg13[%swap3A_774] : memref<32xf32, #tpu.memory_space<smem>>
      memref.store %squeeze3A_772, %arg13[%swap3A_774] : memref<32xf32, #tpu.memory_space<smem>>
      %slice3A_776 = vector.extract_strided_slice %mul3A_630 {offsets = [14], sizes = [1], strides = [1]} : vector<16xf32> to vector<1xf32>
      %squeeze3A_777 = vector.extract %slice3A_776[0] : f32 from vector<1xf32>
      %swap3A_778 = arith.constant 30 : i32
      %swap3A_779 = arith.index_cast %swap3A_778 : i32 to index
      %swap3A_780 = memref.load %arg14[%swap3A_779] : memref<32xf32, #tpu.memory_space<smem>>
      memref.store %squeeze3A_777, %arg14[%swap3A_779] : memref<32xf32, #tpu.memory_space<smem>>
      %slice3A_781 = vector.extract_strided_slice %mul3A_626 {offsets = [15], sizes = [1], strides = [1]} : vector<16xf32> to vector<1xf32>
      %squeeze3A_782 = vector.extract %slice3A_781[0] : f32 from vector<1xf32>
      %swap3A_783 = arith.constant 31 : i32
      %swap3A_784 = arith.index_cast %swap3A_783 : i32 to index
      %swap3A_785 = memref.load %arg13[%swap3A_784] : memref<32xf32, #tpu.memory_space<smem>>
      memref.store %squeeze3A_782, %arg13[%swap3A_784] : memref<32xf32, #tpu.memory_space<smem>>
      %slice3A_786 = vector.extract_strided_slice %mul3A_630 {offsets = [15], sizes = [1], strides = [1]} : vector<16xf32> to vector<1xf32>
      %squeeze3A_787 = vector.extract %slice3A_786[0] : f32 from vector<1xf32>
      %swap3A_788 = arith.constant 31 : i32
      %swap3A_789 = arith.index_cast %swap3A_788 : i32 to index
      %swap3A_790 = memref.load %arg14[%swap3A_789] : memref<32xf32, #tpu.memory_space<smem>>
      memref.store %squeeze3A_787, %arg14[%swap3A_789] : memref<32xf32, #tpu.memory_space<smem>>
      %scan3A_791 = arith.constant 0 : i32
      %scan3A_792 = arith.constant 0 : i32
      %scan3A_793 = arith.constant 48 : i32
      %scan3A_794 = arith.addi %scan3A_792, %scan3A_793 : i32
      %scan3A_795 = arith.constant 1 : i32
      %scan3A_796 = scf.for %scan3A_816 = %scan3A_792 to %scan3A_794 step %scan3A_795 iter_args(%scan3A_817 = %scan3A_791) -> (i32)  : i32 {
        %mul3A_818 = arith.constant 16 : i32
        %mul3A_819 = arith.muli %scan3A_816, %mul3A_818 : i32
        %get3A = arith.index_cast %mul3A_819 : i32 to index
        %get3A_820 = tpu.vector_load %arg15[%get3A] {strides = array<i32>} : memref<768xf32, #tpu.memory_space<vmem>>, vector<16xf32>,
        %get3A_821 = arith.index_cast %mul3A_819 : i32 to index
        %get3A_822 = tpu.vector_load %arg16[%get3A_821] {strides = array<i32>} : memref<768xf32, #tpu.memory_space<vmem>>, vector<16xf32>,
        %parallel_loop3A = arith.constant 0 : i32
        %parallel_loop3A_823 = arith.constant 32 : i32
        %parallel_loop3A_824 = arith.constant 1 : i32
        scf.for %parallel_loop3A_826 = %parallel_loop3A to %parallel_loop3A_823 step %parallel_loop3A_824  : i32 {
          %parallel_loop3A_827 = arith.index_cast %rem3A_92 : i32 to index
          %parallel_loop3A_828 = arith.index_cast %parallel_loop3A_826 : i32 to index
          %parallel_loop3A_829 = arith.index_cast %mul3A_819 : i32 to index
          %parallel_loop3A_830 = tpu.vector_load %arg9[%parallel_loop3A_827, %parallel_loop3A_828, %parallel_loop3A_829] {strides = array<i32>} : memref<3x32x768xf32, #tpu.memory_space<vmem>>, vector<16xf32>,
          %parallel_loop3A_831 = arith.index_cast %parallel_loop3A_826 : i32 to index
          %parallel_loop3A_832 = memref.load %arg13[%parallel_loop3A_831] : memref<32xf32, #tpu.memory_space<smem>>
          %parallel_loop3A_833 = vector.broadcast %parallel_loop3A_832 : f32 to vector<16xf32>
          %parallel_loop3A_834 = arith.mulf %parallel_loop3A_830, %parallel_loop3A_833 : vector<16xf32>
          %parallel_loop3A_835 = arith.index_cast %parallel_loop3A_826 : i32 to index
          %parallel_loop3A_836 = memref.load %arg14[%parallel_loop3A_835] : memref<32xf32, #tpu.memory_space<smem>>
          %parallel_loop3A_837 = vector.broadcast %parallel_loop3A_836 : f32 to vector<16xf32>
          %parallel_loop3A_838 = arith.addf %parallel_loop3A_834, %parallel_loop3A_837 : vector<16xf32>
          %parallel_loop3A_839 = arith.mulf %parallel_loop3A_838, %get3A_820 : vector<16xf32>
          %parallel_loop3A_840 = arith.addf %parallel_loop3A_839, %get3A_822 : vector<16xf32>
          %parallel_loop3A_841 = arith.index_cast %rem3A_92 : i32 to index
          %parallel_loop3A_842 = arith.index_cast %parallel_loop3A_826 : i32 to index
          %parallel_loop3A_843 = arith.index_cast %mul3A_819 : i32 to index
          %parallel_loop3A_844 = tpu.vector_load %arg9[%parallel_loop3A_841, %parallel_loop3A_842, %parallel_loop3A_843] {strides = array<i32>} : memref<3x32x768xf32, #tpu.memory_space<vmem>>, vector<16xf32>,
          tpu.vector_store %arg9[%parallel_loop3A_841, %parallel_loop3A_842, %parallel_loop3A_843], %parallel_loop3A_840 {strides = array<i32>} : memref<3x32x768xf32, #tpu.memory_space<vmem>>, vector<16xf32>,
        } {sc.loop_unroll_factor = 8 : i64, sc.parallel_access}
        %scan3A_825 = arith.constant 0 : i32
        scf.yield %scan3A_825 : i32
      }
      %scan3A_797 = arith.constant 48 : i32
      %mul3A_798 = arith.constant 32 : i32
      %mul3A_799 = arith.muli %scan3A_90, %mul3A_798 : i32
      %add3A_800 = arith.addi %mul3A_2, %mul3A_799 : i32
      %dma_start3A_801 = arith.constant 0 : i32
      %dma_start3A_802 = arith.constant 0 : i32
      %dma_start3A_803 = tpu.memref_slice %arg9[%rem3A_92, %dma_start3A_801, %dma_start3A_802] : memref<3x32x768xf32, #tpu.memory_space<vmem>> -> memref<1x32x768xf32, #tpu.memory_space<vmem>>
      %dma_start3A_804 = tpu.memref_squeeze %dma_start3A_803 : memref<1x32x768xf32, #tpu.memory_space<vmem>> -> memref<32x768xf32, #tpu.memory_space<vmem>>
      %dma_start3A_805 = arith.constant 0 : i32
      %dma_start3A_806 = tpu.memref_slice %arg7[%add3A_800, %dma_start3A_805] : memref<32768x768xf32, #tpu.memory_space<hbm>> -> memref<32x768xf32, #tpu.memory_space<hbm>>
      %dma_start3A_807 = tpu.memref_slice %arg19[%rem3A_92] : memref<3x!tpu.dma_semaphore, #tpu.memory_space<semaphore_mem>> -> memref<1x!tpu.dma_semaphore, #tpu.memory_space<semaphore_mem>>
      %dma_start3A_808 = tpu.memref_squeeze %dma_start3A_807 : memref<1x!tpu.dma_semaphore, #tpu.memory_space<semaphore_mem>> -> memref<!tpu.dma_semaphore, #tpu.memory_space<semaphore_mem>>
      %dma_start3A_809 = arith.constant 0 : i32
      %dma_start3A_810 = tpu.memref_slice %arg7[%add3A_800, %dma_start3A_809] : memref<32768x768xf32, #tpu.memory_space<hbm>> -> memref<32x768xf32, #tpu.memory_space<hbm>>
      %dma_start3A_811 = arith.constant 0 : i32
      %dma_start3A_812 = arith.constant 0 : i32
      %dma_start3A_813 = tpu.memref_slice %arg9[%rem3A_92, %dma_start3A_811, %dma_start3A_812] : memref<3x32x768xf32, #tpu.memory_space<vmem>> -> memref<1x32x768xf32, #tpu.memory_space<vmem>>
      %dma_start3A_814 = tpu.memref_squeeze %dma_start3A_813 : memref<1x32x768xf32, #tpu.memory_space<vmem>> -> memref<32x768xf32, #tpu.memory_space<vmem>>
      tpu.enqueue_dma source(%dma_start3A_814 : memref<32x768xf32, #tpu.memory_space<vmem>>) target(%dma_start3A_810 : memref<32x768xf32, #tpu.memory_space<hbm>>) target_semaphore(%dma_start3A_808 : memref<!tpu.dma_semaphore, #tpu.memory_space<semaphore_mem>>)
      %scan3A_815 = arith.constant 0 : i32
      scf.yield %scan3A_815 : i32
    }
    %scan3A_41 = arith.constant 32 : i32
    %dma_wait3A_42 = arith.constant 0 : i32
    %dma_wait3A_43 = arith.constant 0 : i32
    %dma_wait3A_44 = arith.constant 0 : i32
    %dma_wait3A_45 = arith.constant 0 : i32
    %dma_wait3A_46 = tpu.memref_slice %arg9[%dma_wait3A_42, %dma_wait3A_44, %dma_wait3A_45] : memref<3x32x768xf32, #tpu.memory_space<vmem>> -> memref<1x32x768xf32, #tpu.memory_space<vmem>>
    %dma_wait3A_47 = tpu.memref_squeeze %dma_wait3A_46 : memref<1x32x768xf32, #tpu.memory_space<vmem>> -> memref<32x768xf32, #tpu.memory_space<vmem>>
    %dma_wait3A_48 = arith.constant 0 : i32
    %dma_wait3A_49 = tpu.memref_slice %arg7[%mul3A_2, %dma_wait3A_48] : memref<32768x768xf32, #tpu.memory_space<hbm>> -> memref<32x768xf32, #tpu.memory_space<hbm>>
    %dma_wait3A_50 = tpu.memref_slice %arg19[%dma_wait3A_43] : memref<3x!tpu.dma_semaphore, #tpu.memory_space<semaphore_mem>> -> memref<1x!tpu.dma_semaphore, #tpu.memory_space<semaphore_mem>>
    %dma_wait3A_51 = tpu.memref_squeeze %dma_wait3A_50 : memref<1x!tpu.dma_semaphore, #tpu.memory_space<semaphore_mem>> -> memref<!tpu.dma_semaphore, #tpu.memory_space<semaphore_mem>>
    %dma_wait3A_52 = arith.constant 0 : i32
    %dma_wait3A_53 = tpu.memref_slice %arg7[%mul3A_2, %dma_wait3A_52] : memref<32768x768xf32, #tpu.memory_space<hbm>> -> memref<32x768xf32, #tpu.memory_space<hbm>>
    %dma_wait3A_54 = arith.constant 0 : i32
    %dma_wait3A_55 = arith.constant 0 : i32
    %dma_wait3A_56 = tpu.memref_slice %arg9[%dma_wait3A_42, %dma_wait3A_54, %dma_wait3A_55] : memref<3x32x768xf32, #tpu.memory_space<vmem>> -> memref<1x32x768xf32, #tpu.memory_space<vmem>>
    %dma_wait3A_57 = tpu.memref_squeeze %dma_wait3A_56 : memref<1x32x768xf32, #tpu.memory_space<vmem>> -> memref<32x768xf32, #tpu.memory_space<vmem>>
    tpu.wait_dma2 semaphore(%dma_wait3A_51 : memref<!tpu.dma_semaphore, #tpu.memory_space<semaphore_mem>>) src(%dma_wait3A_57 : memref<32x768xf32, #tpu.memory_space<vmem>>) dst(%dma_wait3A_53 : memref<32x768xf32, #tpu.memory_space<hbm>>)
    %dma_wait3A_58 = arith.constant 1 : i32
    %dma_wait3A_59 = arith.constant 1 : i32
    %dma_wait3A_60 = arith.constant 0 : i32
    %dma_wait3A_61 = arith.constant 0 : i32
    %dma_wait3A_62 = tpu.memref_slice %arg9[%dma_wait3A_58, %dma_wait3A_60, %dma_wait3A_61] : memref<3x32x768xf32, #tpu.memory_space<vmem>> -> memref<1x32x768xf32, #tpu.memory_space<vmem>>
    %dma_wait3A_63 = tpu.memref_squeeze %dma_wait3A_62 : memref<1x32x768xf32, #tpu.memory_space<vmem>> -> memref<32x768xf32, #tpu.memory_space<vmem>>
    %dma_wait3A_64 = arith.constant 0 : i32
    %dma_wait3A_65 = tpu.memref_slice %arg7[%mul3A_2, %dma_wait3A_64] : memref<32768x768xf32, #tpu.memory_space<hbm>> -> memref<32x768xf32, #tpu.memory_space<hbm>>
    %dma_wait3A_66 = tpu.memref_slice %arg19[%dma_wait3A_59] : memref<3x!tpu.dma_semaphore, #tpu.memory_space<semaphore_mem>> -> memref<1x!tpu.dma_semaphore, #tpu.memory_space<semaphore_mem>>
    %dma_wait3A_67 = tpu.memref_squeeze %dma_wait3A_66 : memref<1x!tpu.dma_semaphore, #tpu.memory_space<semaphore_mem>> -> memref<!tpu.dma_semaphore, #tpu.memory_space<semaphore_mem>>
    %dma_wait3A_68 = arith.constant 0 : i32
    %dma_wait3A_69 = tpu.memref_slice %arg7[%mul3A_2, %dma_wait3A_68] : memref<32768x768xf32, #tpu.memory_space<hbm>> -> memref<32x768xf32, #tpu.memory_space<hbm>>
    %dma_wait3A_70 = arith.constant 0 : i32
    %dma_wait3A_71 = arith.constant 0 : i32
    %dma_wait3A_72 = tpu.memref_slice %arg9[%dma_wait3A_58, %dma_wait3A_70, %dma_wait3A_71] : memref<3x32x768xf32, #tpu.memory_space<vmem>> -> memref<1x32x768xf32, #tpu.memory_space<vmem>>
    %dma_wait3A_73 = tpu.memref_squeeze %dma_wait3A_72 : memref<1x32x768xf32, #tpu.memory_space<vmem>> -> memref<32x768xf32, #tpu.memory_space<vmem>>
    tpu.wait_dma2 semaphore(%dma_wait3A_67 : memref<!tpu.dma_semaphore, #tpu.memory_space<semaphore_mem>>) src(%dma_wait3A_73 : memref<32x768xf32, #tpu.memory_space<vmem>>) dst(%dma_wait3A_69 : memref<32x768xf32, #tpu.memory_space<hbm>>)
    %dma_wait3A_74 = arith.constant 2 : i32
    %dma_wait3A_75 = arith.constant 2 : i32
    %dma_wait3A_76 = arith.constant 0 : i32
    %dma_wait3A_77 = arith.constant 0 : i32
    %dma_wait3A_78 = tpu.memref_slice %arg9[%dma_wait3A_74, %dma_wait3A_76, %dma_wait3A_77] : memref<3x32x768xf32, #tpu.memory_space<vmem>> -> memref<1x32x768xf32, #tpu.memory_space<vmem>>
    %dma_wait3A_79 = tpu.memref_squeeze %dma_wait3A_78 : memref<1x32x768xf32, #tpu.memory_space<vmem>> -> memref<32x768xf32, #tpu.memory_space<vmem>>
    %dma_wait3A_80 = arith.constant 0 : i32
    %dma_wait3A_81 = tpu.memref_slice %arg7[%mul3A_2, %dma_wait3A_80] : memref<32768x768xf32, #tpu.memory_space<hbm>> -> memref<32x768xf32, #tpu.memory_space<hbm>>
    %dma_wait3A_82 = tpu.memref_slice %arg19[%dma_wait3A_75] : memref<3x!tpu.dma_semaphore, #tpu.memory_space<semaphore_mem>> -> memref<1x!tpu.dma_semaphore, #tpu.memory_space<semaphore_mem>>
    %dma_wait3A_83 = tpu.memref_squeeze %dma_wait3A_82 : memref<1x!tpu.dma_semaphore, #tpu.memory_space<semaphore_mem>> -> memref<!tpu.dma_semaphore, #tpu.memory_space<semaphore_mem>>
    %dma_wait3A_84 = arith.constant 0 : i32
    %dma_wait3A_85 = tpu.memref_slice %arg7[%mul3A_2, %dma_wait3A_84] : memref<32768x768xf32, #tpu.memory_space<hbm>> -> memref<32x768xf32, #tpu.memory_space<hbm>>
    %dma_wait3A_86 = arith.constant 0 : i32
    %dma_wait3A_87 = arith.constant 0 : i32
    %dma_wait3A_88 = tpu.memref_slice %arg9[%dma_wait3A_74, %dma_wait3A_86, %dma_wait3A_87] : memref<3x32x768xf32, #tpu.memory_space<vmem>> -> memref<1x32x768xf32, #tpu.memory_space<vmem>>
    %dma_wait3A_89 = tpu.memref_squeeze %dma_wait3A_88 : memref<1x32x768xf32, #tpu.memory_space<vmem>> -> memref<32x768xf32, #tpu.memory_space<vmem>>
    tpu.wait_dma2 semaphore(%dma_wait3A_83 : memref<!tpu.dma_semaphore, #tpu.memory_space<semaphore_mem>>) src(%dma_wait3A_89 : memref<32x768xf32, #tpu.memory_space<vmem>>) dst(%dma_wait3A_85 : memref<32x768xf32, #tpu.memory_space<hbm>>)
    return
  }
}

</mosaic_0001>

<sc_bundles>
// kernel: kernel.3.cloned.1.call-start
scs
__scs_entry_jumppad:
0x0: {  	(pc) =	sbr.rel $0x88, $3  }
0x1: {  	(tag) =	ssettag $0x0;
	lr =	simm.s32 $0x1  }
0x2: {  	[smem:$0x3F9C] =	sst lr;
	_ =	strace $0xD0000000  }
0x3: {  	_ = 	snop  }
0x4: {  	_ = 	snop  }
0x5: {  	_ = 	snop  }
0x6: {  	_ = 	snop  }
0x7: {  	_ = 	snop  }
__scs_overlays_trampoline_lowered:
0x8: {  	[smem:$0x3FAB] =	sst s0  }
0x9: {  	[smem:$0x3FAC] =	sst s1  }
0xa: {  	[smem:$0x3FAD] =	sst s2  }
0xb: {  	[smem:$0x3FAE] =	sst s3  }
0xc: {  	[smem:$0x3FAF] =	sst s4  }
0xd: {  	[smem:$0x3FB0] =	sst s5  }
0xe: {  	[smem:$0x3FB1] =	sst s6  }
0xf: {  	[smem:$0x3FB2] =	sst s7  }
0x10: {  	[smem:$0x3FB3] =	sst s8  }
0x11: {  	[smem:$0x3FB4] =	sst s9;
	s0 =	simm.s32 @!p0 $0x0  }
0x12: {  	s1 =	sld [smem:$0x3F9A];
	s0 =	simm.s32 @p0 $0x1  }
0x13: {  	[smem:$0x3FB5] =	sst s0;
	s0 =	simm.s32 @!p1 $0x0  }
0x14: {  	s2 =	sld [smem:$0x3F99];
	s0 =	simm.s32 @p1 $0x1  }
0x15: {  	[smem:$0x3FB6] =	sst s0;
	s0 =	simm.s32 @!p2 $0x0  }
0x16: {  	s3 =	sld [smem:$0x3FDB];
	s0 =	simm.s32 @p2 $0x1  }
0x17: {  	s4 =	simm.s32 $0x1BF5;
	[smem:$0x3FB8] =	sst s0  }
0x18: {  	s0 =	sld [smem:$0x3F9B];
	_ =	swait.ge [sflag:s4], $0x0  }
0x19: {  	s7 =	sld [smem:$0x3F9C]  }
0x1a: {  	s8 =	sadd.s32 $0xFFFFE003, lr  }
0x1b: {  	s9 =	sadd.s32 $0xFFFFFEF7, lr;
	s5 =	simm.s32 $0xFFFFFFFF;
	p2 =	slt.u32 s8, $0xFFFFF086  }
0x1c: {  	p1 =	slt.u32 s9, $0xF7A;
	s5 =	simm.s32 @!p2 $0x0  }
0x1d: {  	s5 =	simm.s32 @p1 $0x1;
	p0 =	seq.s32 s7, s2  }
0x1e: {  	s7 =	smul.u32 @!p0 $0xF7A, s2;
	p2 =	seq.s32 @!p0 s5, $0x0  }
0x1f: {  	s9 =	smul.u32 $0xF7A, s1;
	s8 =	simm.s32 @!p0 $0x1BF5;
	p2 =	por !p2, p0  }
0x20: {  	[sflag:s8] =	ssyncset.s32 @!p0 $0xFFFFF086;
	s6 =	sadd.s32 @!p0 s3, s7;
	s7 =	simm.s32 @!p0 $0x108  }
0x21: {  	s3 =	sadd.s32 s3, s9;
	s6 =	sadd.s32 @!p0 $0x88, s6;
	s7 =	simm.s32 @p2 $0x1082  }
0x22: {  	[simem:s7], [sflag:s8] =	dma.local @!p0 [hbm:s6], $0xF7A  }
0x23: {  	s9 =	sor.u32 $0xD0000000, s2;
	s6 =	simm.s32 $0x108;
	_ =	swait.ge @!p0 [sflag:s8], $0x0  }
0x24: {  	s3 =	sadd.s32 $0x88, s3;
	s6 =	simm.s32 @!p1 $0x1082;
	[sflag:s4] =	ssyncset.s32 $0xFFFFF086  }
0x25: {  	[simem:s6], [sflag:s4] =	dma.local [hbm:s3], $0xF7A  }
0x26: {  	[smem:$0x3F9C] =	sst s1;
	(tag) =	ssettag s2;
	_ =	strace s9  }
0x27: {  	s1 =	sld [smem:$0x3FAC]  }
0x28: {  	s2 =	sld [smem:$0x3FAD]  }
0x29: {  	s4 =	sld [smem:$0x3FAF]  }
0x2a: {  	p0 =	seq.s32 s5, $0x0;
	s5 =	sld [smem:$0x3FB0]  }
0x2b: {  	s6 =	sld [smem:$0x3FB1]  }
0x2c: {  	s7 =	sld [smem:$0x3FB2]  }
0x2d: {  	s3 =	simm.s32 $0x108;
	s8 =	sld [smem:$0x3FB3]  }
0x2e: {  	s3 =	simm.s32 @!p0 $0x1082;
	s9 =	sld [smem:$0x3FB4]  }
0x2f: {  	lr =	sadd.s32 s0, s3;
	s0 =	sld [smem:$0x3FAB]  }
0x30: {  	s3 =	sld [smem:$0x3FAE]  }
0x31: {  	[smem:$0x3FB7] =	sst s10  }
0x32: {  	s10 =	sld [smem:$0x3FB5];
	_ =	sdelay $0x3  }
0x33: {  	p0 =	seq.s32 s10, $0x1;
	s10 =	sld [smem:$0x3FB7];
	_ =	sdelay $0x3  }
0x34: {  	[smem:$0x3FB7] =	sst s10  }
0x35: {  	s10 =	sld [smem:$0x3FB6];
	_ =	sdelay $0x3  }
0x36: {  	p1 =	seq.s32 s10, $0x1;
	s10 =	sld [smem:$0x3FB7];
	_ =	sdelay $0x3  }
0x37: {  	[smem:$0x3FB7] =	sst s10  }
0x38: {  	s10 =	sld [smem:$0x3FB8]  }
0x39: {  	_ = 	snop;
	(pc) =	sbr.ind lr, $3  }
0x3a: {  	_ = 	snop  }
0x3b: {  	_ = 	snop  }
0x3c: {  	p2 =	seq.s32 s10, $0x1;
	s10 =	sld [smem:$0x3FB7]  }
0x3d: {  	_ =	shalt  }
0x3e: {  	_ =	shalt  }
0x3f: {  	_ =	shalt  }
0x40: {  	_ =	shalt  }
0x41: {  	_ =	shalt  }
0x42: {  	_ =	shalt  }
0x43: {  	_ =	shalt  }
0x44: {  	_ =	shalt  }
0x45: {  	_ =	shalt  }
0x46: {  	_ =	shalt  }
0x47: {  	_ =	shalt  }
0x48: {  	_ =	shalt  }
0x49: {  	_ =	shalt  }
0x4a: {  	_ =	shalt  }
0x4b: {  	_ =	shalt  }
0x4c: {  	_ =	shalt  }
0x4d: {  	_ =	shalt  }
0x4e: {  	_ =	shalt  }
0x4f: {  	_ =	shalt  }
0x50: {  	_ =	shalt  }
0x51: {  	_ =	shalt  }
0x52: {  	_ =	shalt  }
0x53: {  	_ =	shalt  }
0x54: {  	_ =	shalt  }
0x55: {  	_ =	shalt  }
0x56: {  	_ =	shalt  }
0x57: {  	_ =	shalt  }
0x58: {  	_ =	shalt  }
0x59: {  	_ =	shalt  }
0x5a: {  	_ =	shalt  }
0x5b: {  	_ =	shalt  }
0x5c: {  	_ =	shalt  }
0x5d: {  	_ =	shalt  }
0x5e: {  	_ =	shalt  }
0x5f: {  	_ =	shalt  }
0x60: {  	_ =	shalt  }
0x61: {  	_ =	shalt  }
0x62: {  	_ =	shalt  }
0x63: {  	_ =	shalt  }
0x64: {  	_ =	shalt  }
0x65: {  	_ =	shalt  }
0x66: {  	_ =	shalt  }
0x67: {  	_ =	shalt  }
0x68: {  	_ =	shalt  }
0x69: {  	_ =	shalt  }
0x6a: {  	_ =	shalt  }
0x6b: {  	_ =	shalt  }
0x6c: {  	_ =	shalt  }
0x6d: {  	_ =	shalt  }
0x6e: {  	_ =	shalt  }
0x6f: {  	_ =	shalt  }
0x70: {  	_ =	shalt  }
0x71: {  	_ =	shalt  }
0x72: {  	_ =	shalt  }
0x73: {  	_ =	shalt  }
0x74: {  	_ =	shalt  }
0x75: {  	_ =	shalt  }
0x76: {  	_ =	shalt  }
0x77: {  	_ =	shalt  }
0x78: {  	_ =	shalt  }
0x79: {  	_ =	shalt  }
0x7a: {  	_ =	shalt  }
0x7b: {  	_ =	shalt  }
0x7c: {  	_ =	shalt  }
0x7d: {  	_ =	shalt  }
0x7e: {  	_ =	shalt  }
0x7f: {  	_ =	shalt  }
0x80: {  	_ =	shalt  }
0x81: {  	_ =	shalt  }
0x82: {  	_ =	shalt  }
0x83: {  	_ =	shalt  }
0x84: {  	_ =	shalt  }
0x85: {  	_ =	shalt  }
0x86: {  	_ =	shalt  }
0x87: {  	_ =	shalt  }
.Lfunc_end0:
.L_simem_size_0:
called_computation_lowered:
.L_overlay_start_0:
0x88: {  	s2 =	sld [smem:$0x3FD9]  }
0x89: {  	s3 =	sld [smem:$0x3FFE];
	_ =	sdelay $0x1  }
0x8a: {  	s1 =	srdreg.scid  }
0x8b: {  	s0 =	sand.u32 $0x1, s1  }
0x8c: {  	s17 =	sshll.u32 s0, $0xA;
	s2 =	sadd.s32 s3, s2  }
0x8d: {  	s2 =	sadd.s32 s2, s17  }
0x8e: {  	[smem:$0x3FC3] =	sst s2  }
0x8f: {  	_ = 	snop  }
0x90: {  	s2 =	sld [smem:$0x3FC9]  }
0x91: {  	s18 =	sld [smem:$0x3FC7]  }
0x92: {  	s4 =	sld [smem:$0x3FC6]  }
0x93: {  	s5 =	sld [smem:$0x3FC5]  }
0x94: {  	s6 =	sld [smem:$0x3FD0];
	(tm) =	ssettm $0x1  }
0x95: {  	s7 =	sld [smem:$0x3FFB];
	_ =	sdelay $0x3  }
0x96: {  	_ =	strace s7  }
0x97: {  	s7 =	sld [smem:$0x3FFC];
	_ =	sdelay $0x3  }
0x98: {  	_ =	strace s7  }
0x99: {  	s7 =	sld [smem:$0x3FFD];
	_ =	sdelay $0x3  }
0x9a: {  	_ =	strace s7  }
0x9b: {  	_ =	strace $0x8FFFFFFF  }
0x9c: {  	s19 =	sld [smem:$0x3FDB];
	_ =	sdelay $0x1  }
0x9d: {  	s8 =	simm.s32 $_scs_section_size  }
0x9e: {  	s9 =	simm.s32 $_size__tile_overlayer_lowered;
	s10 =	simm.s32 $_tile_overlayer_lowered  }
0x9f: {  	s22 =	simm.s32 $0x1BFF;
	s21 =	sshll.u32 s10, $0x1;
	s7 =	sadd.s32 s8, s19  }
0xa0: {  	s11 =	simm.s32 $0x0;
	s20 =	sshll.u32 s9, $0x1;
	s9 =	sadd.s32 s21, s7  }
0xa1: {  	[timem:s11], [sflag:s22] =	dma.local [hbm:s9], s20  }
0xa2: {  	_ =	swait.ge [sflag:s22], s20  }
0xa3: {  	s8 =	ssub.s32 $0x0, s20;
	[sflag:s22] =	ssyncset.done $0x0  }
0xa4: {  	[sflag:s22] =	ssyncadd.s32 s8;
	_ =	sdelay $0x1  }
0xa5: {  	s23 =	simm.s32 $0x1B8B  }
0xa6: {  	_ =	swait.ge [sflag:s23], $0x1  }
0xa7: {  	[sflag:s23] =	ssyncset.done $0x0  }
0xa8: {  	s25 =	simm.s32 $0x1B8E;
	s24 =	sld [smem:$0x3FFE];
	[sflag:s23] =	ssyncadd.s32 $0xFFFFFFFF  }
0xa9: {  	s26 =	simm.s32 $execute0_lowered;
	[smem:$0x3FD2] =	sst s25  }
0xaa: {  	s9 =	sshll.u32 s26, $0x1;
	_ =	strace $0x80000046;
	[dreg:$0x1] =	wrdreg $0xFFFFFFFF  }
0xab: {  	s28 =	simm.s32 $_size_execute0_lowered;
	s7 =	sadd.s32 s7, s9;
	[dreg:$0x0] =	wrdreg $0x0  }
0xac: {  	s9 =	sshll.u32 s28, $0x1;
	[dreg:$0x2] =	wrdreg s7  }
0xad: {  	[dreg:$0x3] =	wrdreg s9  }
0xae: {  	[dreg:$0x4] =	wrdreg $0xC0  }
0xaf: {  	_ =	task [dreg:s11], $0x5FFFF  }
0xb0: {  	[dreg:$0x1] =	wrdreg $0xFFFFFFFF  }
0xb1: {  	[dreg:$0x0] =	wrdreg $0x60  }
0xb2: {  	[dreg:$0x2] =	wrdreg s2  }
0xb3: {  	[dreg:$0x3] =	wrdreg s24  }
0xb4: {  	[dreg:$0x4] =	wrdreg s18  }
0xb5: {  	[dreg:$0x5] =	wrdreg s4  }
0xb6: {  	[dreg:$0x6] =	wrdreg s5  }
0xb7: {  	[dreg:$0x7] =	wrdreg s6  }
0xb8: {  	[dreg:$0x8] =	wrdreg $0x9  }
0xb9: {  	_ =	task.clear_ibuf [dreg:s11], $0x9FFFF;
	_ =	strace $0x90000046  }
0xba: {  	s29 =	simm.s32 $0x9;
	_ =	strace $0x80000048  }
0xbb: {  	_ =	swait.ge [sflag:s29], $0x1  }
0xbc: {  	[sflag:s29] =	ssyncadd.s32 $0xFFFFFFFF  }
0xbd: {  	_ =	strace $0x90000048  }
0xbe: {  	_ =	sfence  }
0xbf: {  	s30 =	sld [smem:$0x0];
	_ =	sdelay $0x2  }
0xc0: {  	s31 =	sshll.u32 s1, $0xD;
	s1 =	sshrl.u32 s1, $0x2  }
0xc1: {  	s3 =	sand.u32 $0x4000, s31;
	s1 =	sadd.s32 s1, s30  }
0xc2: {  	s0 =	sor.u32 s3, s0;
	s1 =	sshll.u32 s1, $0x11  }
0xc3: {  	s0 =	sor.u32 s1, s0  }
0xc4: {  	s0 =	sadd.s32 $0x8F2B, s0  }
0xc5: {  	[sflag:s0] =	ssyncadd.remote.s32 $0x1  }
0xc6: {  	_ =	sfence.sel $0xFFFF  }
0xc7: {  	[dreg:$0x0] =	wrdreg $0xFFFFFFFF;
	(pc) =	sbr.abs _section_cstart, $3  }
0xc8: {  	[dreg:$0x1] =	wrdreg $0xFFFFFFFF  }
0xc9: {  	_ =	task.clear_ibuf [dreg:s11], $0x2FFFF;
	_ =	strace $0x9FFFFFFF  }
0xca: {  	(tm) =	ssettm $0x7FFFFFFF  }
0xcb: {  	_ =	shalt  }
tec
execute0_lowered:
.L_overlay_start_1:
0x0: {  	(tag) =	ssettag $0x1  }
0x1: {  	s4 =	rddreg [dreg:$0x0]  }
0x2: {  	s0 =	rddreg [dreg:$0x1];
	v3 =	vlaneseq.u32  }
0x3: {  	s5 =	rddreg [dreg:$0x2];
	vm0 =	vmmov $0xffff;
	v0 =	vmul.u32 $0x10, v3  }
0x4: {  	s1 =	srdreg.scid;
	s2 =	stileid.u32;
	s6 =	simm.s32 $0x0;
	v2 =	vshrl.u32 v3, $0x3;
	v1 =	vand.u32 $0x7, v3;
	v3 =	vor.u32 $0x8, v3  }
0x5: {  	s1 =	sand.u32 $0x1, s1;
	s2 =	sshll.u32 s2, $0xB;
	[smem:$0x7FF] =	sst s6;
	v2 =	vmul.u32 $0x8, v2;
	v4 =	vor.u32 $0x1, v0;
	v5 =	vor.u32 $0x2, v0  }
0x6: {  	s28 =	sadd.s32 $0x100, s5;
	s29 =	sadd.s32 $0x200, s5;
	s3 =	sshll.u32 s1, $0xA;
	v6 =	vor.u32 $0x3, v0;
	v7 =	vor.u32 $0x4, v0;
	v8 =	vor.u32 $0x5, v0  }
0x7: {  	s1 =	ssub.s32 $0x2, s1;
	_ =	strace $0x80000047;
	[dreg:$0x12] =	wrdreg s28;
	v9 =	vor.u32 $0x6, v0;
	v10 =	vor.u32 $0x7, v0;
	v11 =	vor.u32 $0x8, v0  }
0x8: {  	[dreg:$0x13] =	wrdreg s29;
	s2 =	sor.u32 s3, s2;
	s26 =	sshrl.u32 s1, $0x1;
	v12 =	vor.u32 $0x9, v0;
	v13 =	vor.u32 $0xA, v0;
	v14 =	vor.u32 $0xB, v0  }
0x9: {  	v15 =	vor.u32 $0xC, v0;
	v16 =	vor.u32 $0xD, v0;
	v17 =	vor.u32 $0xE, v0;
	[dreg:$0x10] =	wrdreg s2;
	s2 =	sshrl.u32 s2, $0x3;
	s1 =	ssub.s32 s1, s26  }
0xa: {  	v18 =	vor.u32 $0xF, v0;
	v19 =	vor.u32 $0x100, v0;
	v20 =	vor.u32 $0x101, v0;
	s0 =	sadd.s32 s2, s0;
	s2 =	smul.u32 $0x300, s2;
	s31 =	smax.u32 s1, $0x1  }
0xb: {  	v21 =	vor.u32 $0x102, v0;
	v22 =	vor.u32 $0x103, v0;
	v23 =	vor.u32 $0x104, v0;
	s0 =	sadd.s32 $0x400, s0;
	[dreg:$0x15] =	wrdreg s31  }
0xc: {  	v24 =	vor.u32 $0x105, v0;
	v25 =	vor.u32 $0x106, v0;
	v26 =	vor.u32 $0x107, v0;
	[dreg:$0x11] =	wrdreg s0;
	s30 =	sadd.s32 s4, s2  }
0xd: {  	v27 =	vor.u32 $0x108, v0;
	v28 =	vor.u32 $0x109, v0;
	v29 =	vor.u32 $0x10A, v0;
	s2 =	simm.s32 $0x0;
	[dreg:$0x14] =	wrdreg s30  }
.LBB2_1:
0xe: {  	[dreg:$0x16] =	wrdreg s2  }
0xf: {  	s0 =	rddreg [dreg:$0x3]  }
0x10: {  	s1 =	simm.s32 $0x0;
	s12 =	simm.s32 $0x1E800;
	s13 =	simm.s32 $0xA  }
0x11: {  	[tilespmem:s12], [sflag:$0xA] =	stream.linear.gather [hbm4b:s0+s1], $0x300, $0x38;
	[tilespmem:$0x1EE00] =	vst v63  }
0x12: {  	_ =	swait.ge [sflag:s13], $0x300  }
0x13: {  	[sflag:s13] =	ssyncset.done $0x0  }
0x14: {  	[sflag:s13] =	ssyncadd.s32 $0xFFFFFD00  }
0x15: {  	s3 =	simm.s32 $0x1EB00;
	s14 =	rddreg [dreg:$0x4]  }
0x16: {  	[tilespmem:s3], [sflag:$0xA] =	stream.linear.gather [hbm4b:s14+s1], $0x300, $0x38;
	[tilespmem:$0x1EE00] =	vst v63  }
0x17: {  	_ =	swait.ge [sflag:s13], $0x300  }
0x18: {  	[sflag:s13] =	ssyncset.done $0x0  }
0x19: {  	s16 =	simm.s32 $0x9;
	s15 =	rddreg [dreg:$0x11];
	[sflag:s13] =	ssyncadd.s32 $0xFFFFFD00  }
0x1a: {  	[tilespmem:s1], [sflag:$0x9] =	stream.linear.gather [hbm4b:s15+s1], $0x400, $0x38;
	[tilespmem:$0x1EE00] =	vst v63  }
0x1b: {  	_ =	swait.ge [sflag:s16], $0x400  }
0x1c: {  	[sflag:s16] =	ssyncset.done $0x0  }
0x1d: {  	[sflag:s16] =	ssyncadd.s32 $0xFFFFFC00  }
0x1e: {  	v30 =	vld [tilespmem:$0x0];
	_ =	sdelay $0x4  }
0x1f: {  	v31 =	vshrl.u32 v30, $0x3  }
0x20: {  	v31 =	vmul.u32 $0x30, v31  }
0x21: {  	v30 =	vand.u32 $0x7, v30  }
0x22: {  	v30 =	vor.u32 v30, v31  }
0x23: {  	v31 =	vperm.xlane v30, v1;
	_ =	sdelay $0x1  }
0x24: {  	v31 =	vadd.s32 v2, v31;
	_ =	sdelay $0x3  }
0x25: {  	s15 =	simm.s32 $0x400;
	s0 =	rddreg [dreg:$0x2];
	v30 =	vperm.xlane v30, v3  }
0x26: {  	[tilespmem:s15], [sflag:$0x1] =	stream.indirect_vreg.gather [hbm4b:s0+s1], $0x80, v31, vm0, $0xb8;
	[tilespmem:$0x1EE00] =	vst v63  }
0x27: {  	s18 =	simm.s32 $0xC00;
	s17 =	rddreg [dreg:$0x12];
	v30 =	vadd.s32 v2, v30  }
0x28: {  	[tilespmem:s18], [sflag:$0x1] =	stream.indirect_vreg.gather [hbm4b:s17+s1], $0x80, v31, vm0, $0xb8;
	[tilespmem:$0x1EE00] =	vst v63  }
0x29: {  	s4 =	simm.s32 $0x1400;
	s19 =	rddreg [dreg:$0x13]  }
0x2a: {  	[tilespmem:s4], [sflag:$0x1] =	stream.indirect_vreg.gather [hbm4b:s19+s1], $0x80, v31, vm0, $0xb8;
	[tilespmem:$0x1EE00] =	vst v63  }
0x2b: {  	s20 =	simm.s32 $0x1C00  }
0x2c: {  	[tilespmem:s20], [sflag:$0x1] =	stream.indirect_vreg.gather [hbm4b:s0+s1], $0x80, v30, vm0, $0xb8;
	[tilespmem:$0x1EE00] =	vst v63  }
0x2d: {  	s21 =	simm.s32 $0x2400  }
0x2e: {  	[tilespmem:s21], [sflag:$0x1] =	stream.indirect_vreg.gather [hbm4b:s17+s1], $0x80, v30, vm0, $0xb8;
	[tilespmem:$0x1EE00] =	vst v63  }
0x2f: {  	s22 =	simm.s32 $0x2C00  }
0x30: {  	[tilespmem:s22], [sflag:$0x1] =	stream.indirect_vreg.gather [hbm4b:s19+s1], $0x80, v30, vm0, $0xb8;
	[tilespmem:$0x1EE00] =	vst v63  }
0x31: {  	v30 =	vld [tilespmem:$0x10];
	_ =	sdelay $0x4  }
0x32: {  	v31 =	vshrl.u32 v30, $0x3  }
0x33: {  	v31 =	vmul.u32 $0x30, v31  }
0x34: {  	v30 =	vand.u32 $0x7, v30  }
0x35: {  	v30 =	vor.u32 v30, v31  }
0x36: {  	v31 =	vperm.xlane v30, v1;
	_ =	sdelay $0x1  }
0x37: {  	v31 =	vadd.s32 v2, v31;
	_ =	sdelay $0x3  }
0x38: {  	s23 =	simm.s32 $0x3400;
	v30 =	vperm.xlane v30, v3  }
0x39: {  	[tilespmem:s23], [sflag:$0x1] =	stream.indirect_vreg.gather [hbm4b:s0+s1], $0x80, v31, vm0, $0xb8;
	[tilespmem:$0x1EE00] =	vst v63  }
0x3a: {  	s24 =	simm.s32 $0x3C00;
	v30 =	vadd.s32 v2, v30  }
0x3b: {  	[tilespmem:s24], [sflag:$0x1] =	stream.indirect_vreg.gather [hbm4b:s17+s1], $0x80, v31, vm0, $0xb8;
	[tilespmem:$0x1EE00] =	vst v63  }
0x3c: {  	s25 =	simm.s32 $0x4400  }
0x3d: {  	[tilespmem:s25], [sflag:$0x1] =	stream.indirect_vreg.gather [hbm4b:s19+s1], $0x80, v31, vm0, $0xb8;
	[tilespmem:$0x1EE00] =	vst v63  }
0x3e: {  	s26 =	simm.s32 $0x4C00  }
0x3f: {  	[tilespmem:s26], [sflag:$0x1] =	stream.indirect_vreg.gather [hbm4b:s0+s1], $0x80, v30, vm0, $0xb8;
	[tilespmem:$0x1EE00] =	vst v63  }
0x40: {  	s28 =	simm.s32 $0x5400  }
0x41: {  	[tilespmem:s28], [sflag:$0x1] =	stream.indirect_vreg.gather [hbm4b:s17+s1], $0x80, v30, vm0, $0xb8;
	[tilespmem:$0x1EE00] =	vst v63  }
0x42: {  	s29 =	simm.s32 $0x5C00  }
0x43: {  	[tilespmem:s29], [sflag:$0x1] =	stream.indirect_vreg.gather [hbm4b:s19+s1], $0x80, v30, vm0, $0xb8;
	[tilespmem:$0x1EE00] =	vst v63  }
0x44: {  	s31 =	simm.s32 $0x12400;
	s30 =	rddreg [dreg:$0x14];
	s0 =	simm.s32 $0x0  }
0x45: {  	[tilespmem:s31], [sflag:$0x4] =	stream.linear.gather [hbm4b:s30+s1], $0x6000, $0x38;
	[tilespmem:$0x1EE00] =	vst v63  }
.LBB2_2:
0x46: {  	s1 =	smul.u32 $0xAB, s0;
	_ =	sdelay $0x1  }
0x47: {  	s1 =	sshrl.u32 s1, $0x9  }
0x48: {  	s1 =	sand.u32 $0x7F, s1  }
0x49: {  	s1 =	smul.u32 $0x3, s1;
	_ =	sdelay $0x1  }
0x4a: {  	s1 =	ssub.s32 s0, s1  }
0x4b: {  	s10 =	sand.u32 $0xFF, s1  }
0x4c: {  	[dreg:$0x17] =	wrdreg s15;
	s2 =	sadd.s32 $0x1, s10  }
0x4d: {  	p0 =	seq.s32 s0, $0x1F;
	_ =	swait.ge [sflag:s2], $0x6000  }
.Ltmp0:
0x4e: {  	s1 =	sand.u32 $0x1, s0;
	[sflag:s2] =	ssyncset.done $0x0;
	(pc) =	sbr.rel @p0 .LBB2_4-.Ltmp0, $4  }
0x4f: {  	s31 =	sor.u32 $0x4, s1;
	[sflag:s2] =	ssyncadd.s32 $0xFFFFA000  }
0x50: {  	_ =	swait.ge [sflag:s31], $0x6000  }
0x51: {  	[sflag:s31] =	ssyncset.done $0x0  }
0x52: {  	s11 =	sadd.s32 $0x1, s0;
	[sflag:s31] =	ssyncadd.s32 $0xFFFFA000  }
0x53: {  	s2 =	smul.u32 $0xAB, s11;
	s3 =	sshll.u32 s11, $0x5;
	s4 =	rddreg [dreg:$0x10]  }
0x54: {  	s5 =	sand.u32 $0x1, s11;
	s4 =	sadd.s32 s4, s3  }
0x55: {  	s6 =	smul.u32 $0x18000, s5;
	s2 =	sshrl.u32 s2, $0x9;
	s4 =	sshrl.u32 s4, $0x3  }
0x56: {  	s2 =	sand.u32 $0x7F, s2;
	s4 =	smul.u32 $0x300, s4  }
0x57: {  	s7 =	rddreg [dreg:$0x0];
	s2 =	smul.u32 $0x3, s2  }
0x58: {  	s16 =	simm.s32 $0x0;
	s5 =	sor.u32 $0x4, s5;
	s6 =	sshrl.u32 s6, $0x2  }
0x59: {  	s6 =	sadd.s32 $0x12400, s6;
	s4 =	sadd.s32 s7, s4;
	s2 =	ssub.s32 s11, s2  }
0x5a: {  	[tilespmem:s6], [sflag:s5] =	stream.linear.gather [hbm4b:s4+s16], $0x6000, $0x38;
	[tilespmem:$0x1EE00] =	vst v63  }
0x5b: {  	p0 =	slt.u32 s0, $0x2;
	s2 =	sand.u32 $0xFF, s2  }
0x5c: {  	s4 =	sadd.s32 @!p0 $0x6, s2  }
0x5d: {  	_ =	swait.ge @!p0 [sflag:s4], $0x6000  }
0x5e: {  	[sflag:s4] =	ssyncset.done @!p0 $0x0  }
0x5f: {  	[sflag:s4] =	ssyncadd.s32 @!p0 $0xFFFFA000  }
0x60: {  	v30 =	vld [tilespmem:s3+$0x0];
	_ =	sdelay $0x4  }
0x61: {  	v31 =	vshrl.u32 v30, $0x3  }
0x62: {  	v31 =	vmul.u32 $0x30, v31  }
0x63: {  	v30 =	vand.u32 $0x7, v30  }
0x64: {  	v30 =	vor.u32 v30, v31  }
0x65: {  	v31 =	vperm.xlane v30, v1;
	_ =	sdelay $0x1  }
0x66: {  	v31 =	vadd.s32 v2, v31  }
0x67: {  	s17 =	smul.u32 $0x18000, s2;
	_ =	sdelay $0x1  }
0x68: {  	s4 =	sshrl.u32 s17, $0x2  }
0x69: {  	s2 =	sadd.s32 $0x1, s2;
	s18 =	sor.u32 $0x400, s4;
	s19 =	rddreg [dreg:$0x2];
	v30 =	vperm.xlane v30, v3  }
0x6a: {  	[tilespmem:s18], [sflag:s2] =	stream.indirect_vreg.gather [hbm4b:s19+s16], $0x80, v31, vm0, $0xb8;
	[tilespmem:$0x1EE00] =	vst v63  }
0x6b: {  	s8 =	rddreg [dreg:$0x12];
	s20 =	sor.u32 $0xC00, s4;
	v30 =	vadd.s32 v2, v30  }
0x6c: {  	[tilespmem:s20], [sflag:s2] =	stream.indirect_vreg.gather [hbm4b:s8+s16], $0x80, v31, vm0, $0xb8;
	[tilespmem:$0x1EE00] =	vst v63  }
0x6d: {  	s9 =	rddreg [dreg:$0x13];
	s21 =	sor.u32 $0x1400, s4  }
0x6e: {  	[tilespmem:s21], [sflag:s2] =	stream.indirect_vreg.gather [hbm4b:s9+s16], $0x80, v31, vm0, $0xb8;
	[tilespmem:$0x1EE00] =	vst v63  }
0x6f: {  	s22 =	sor.u32 $0x1C00, s4  }
0x70: {  	[tilespmem:s22], [sflag:s2] =	stream.indirect_vreg.gather [hbm4b:s19+s16], $0x80, v30, vm0, $0xb8;
	[tilespmem:$0x1EE00] =	vst v63  }
0x71: {  	s23 =	sadd.s32 $0x2400, s4  }
0x72: {  	[tilespmem:s23], [sflag:s2] =	stream.indirect_vreg.gather [hbm4b:s8+s16], $0x80, v30, vm0, $0xb8;
	[tilespmem:$0x1EE00] =	vst v63  }
0x73: {  	s24 =	sadd.s32 $0x2C00, s4  }
0x74: {  	[tilespmem:s24], [sflag:s2] =	stream.indirect_vreg.gather [hbm4b:s9+s16], $0x80, v30, vm0, $0xb8;
	[tilespmem:$0x1EE00] =	vst v63  }
0x75: {  	v30 =	vld [tilespmem:s3+$0x10];
	_ =	sdelay $0x4  }
0x76: {  	v31 =	vshrl.u32 v30, $0x3  }
0x77: {  	v31 =	vmul.u32 $0x30, v31  }
0x78: {  	v30 =	vand.u32 $0x7, v30  }
0x79: {  	v30 =	vor.u32 v30, v31  }
0x7a: {  	v31 =	vperm.xlane v30, v1;
	_ =	sdelay $0x1  }
0x7b: {  	v31 =	vadd.s32 v2, v31;
	_ =	sdelay $0x3  }
0x7c: {  	s25 =	sadd.s32 $0x3400, s4;
	v30 =	vperm.xlane v30, v3  }
0x7d: {  	[tilespmem:s25], [sflag:s2] =	stream.indirect_vreg.gather [hbm4b:s19+s16], $0x80, v31, vm0, $0xb8;
	[tilespmem:$0x1EE00] =	vst v63  }
0x7e: {  	s26 =	sadd.s32 $0x3C00, s4;
	v30 =	vadd.s32 v2, v30  }
0x7f: {  	[tilespmem:s26], [sflag:s2] =	stream.indirect_vreg.gather [hbm4b:s8+s16], $0x80, v31, vm0, $0xb8;
	[tilespmem:$0x1EE00] =	vst v63  }
0x80: {  	s28 =	sadd.s32 $0x4400, s4  }
0x81: {  	[tilespmem:s28], [sflag:s2] =	stream.indirect_vreg.gather [hbm4b:s9+s16], $0x80, v31, vm0, $0xb8;
	[tilespmem:$0x1EE00] =	vst v63  }
0x82: {  	s29 =	sadd.s32 $0x4C00, s4  }
0x83: {  	[tilespmem:s29], [sflag:s2] =	stream.indirect_vreg.gather [hbm4b:s19+s16], $0x80, v30, vm0, $0xb8;
	[tilespmem:$0x1EE00] =	vst v63  }
0x84: {  	s30 =	sadd.s32 $0x5400, s4  }
0x85: {  	[tilespmem:s30], [sflag:s2] =	stream.indirect_vreg.gather [hbm4b:s8+s16], $0x80, v30, vm0, $0xb8;
	[tilespmem:$0x1EE00] =	vst v63  }
0x86: {  	s31 =	sadd.s32 $0x5C00, s4  }
0x87: {  	[tilespmem:s31], [sflag:s2] =	stream.indirect_vreg.gather [hbm4b:s9+s16], $0x80, v30, vm0, $0xb8;
	[tilespmem:$0x1EE00] =	vst v63  }
.LBB2_4:
0x88: {  	[dreg:$0x19] =	wrdreg s11;
	s2 =	smulhi.u32 $0xAAAAAAAB, s0  }
0x89: {  	[dreg:$0x18] =	wrdreg s10;
	s3 =	smul.u32 $0x18000, s10  }
0x8a: {  	s1 =	smul.u32 $0x18000, s1;
	s26 =	sshll.u32 s0, $0x5;
	s29 =	rddreg [dreg:$0x10]  }
0x8b: {  	s0 =	sadd.s32 s29, s26;
	s2 =	sshrl.u32 s2, $0x1;
	s28 =	sshrl.u32 s3, $0x2  }
0x8c: {  	[dreg:$0x1b] =	wrdreg s0;
	s31 =	sshrl.u32 s1, $0x2;
	s30 =	sor.u32 $0x400, s28  }
0x8d: {  	s2 =	smul.u32 $0xFFFB8000, s2;
	s0 =	sadd.s32 $0x12400, s31;
	[dreg:$0x1a] =	wrdreg s30  }
0x8e: {  	[dreg:$0x1d] =	wrdreg s0  }
0x8f: {  	[dreg:$0x1c] =	wrdreg s2;
	s2 =	simm.s32 $0x0  }
.LBB2_5:
0x90: {  	s0 =	sshrl.u32 s2, $0x1  }
0x91: {  	s1 =	rddreg [dreg:$0x1d];
	s0 =	smul.u32 $0x1800, s0  }
0x92: {  	s24 =	rddreg [dreg:$0x1a]  }
0x93: {  	[dreg:$0x1e] =	wrdreg s2;
	s28 =	simm.s32 $0x0;
	s1 =	sadd.s32 s0, s1  }
0x94: {  	s26 =	sshll.u32 s2, $0x9;
	s4 =	sand.u32 $0x1C00, s28;
	[dreg:$0x8] =	wrdreg s1  }
0x95: {  	s20 =	sand.u32 $0x200, s26;
	s0 =	sadd.s32 s0, s24;
	s25 =	rddreg [dreg:$0x8]  }
0x96: {  	s2 =	sand.u32 $0x40, s28;
	[dreg:$0x7] =	wrdreg s0;
	s30 =	sadd.s32 s4, s25  }
0x97: {  	s5 =	sor.u32 $0x10, s2;
	s3 =	rddreg [dreg:$0x7];
	s6 =	sadd.s32 s20, s30  }
0x98: {  	s8 =	sadd.s32 s4, s3;
	s15 =	sadd.s32 s5, s6  }
0x99: {  	s7 =	sadd.s32 s20, s8;
	s16 =	sadd.s32 s2, s6;
	v30 =	vld [tilespmem:s15+$0x0]  }
0x9a: {  	s17 =	sadd.s32 s2, s7;
	v31 =	vld [tilespmem:s16+$0x0]  }
0x9b: {  	s1 =	sor.u32 $0x30, s2;
	s9 =	sadd.s32 s5, s7;
	v32 =	vld [tilespmem:s17+$0x0]  }
0x9c: {  	s10 =	sor.u32 $0x20, s2;
	s18 =	sadd.s32 s1, s6;
	v34 =	vld [tilespmem:s9+$0x0]  }
0x9d: {  	s12 =	sor.u32 $0x80, s20;
	s19 =	sadd.s32 s10, s7;
	v33 =	vld [tilespmem:s18+$0x0]  }
0x9e: {  	s11 =	sadd.s32 s12, s8;
	s6 =	sadd.s32 s10, s6;
	v35 =	vld [tilespmem:s19+$0x0]  }
0x9f: {  	s13 =	sadd.s32 s5, s11;
	v36 =	vld [tilespmem:s6+$0x0]  }
0xa0: {  	s21 =	sadd.s32 s2, s11;
	v37 =	vld [tilespmem:s13+$0x0];
	[dreg:$0xa] =	wrdreg s12;
	v32 =	vadd.f32 v31, v32  }
0xa1: {  	s14 =	sadd.s32 s10, s11;
	s16 =	sadd.s32 s12, s30;
	v38 =	vld [tilespmem:s21+$0x0];
	v34 =	vadd.f32 v30, v34  }
0xa2: {  	s12 =	sadd.s32 s2, s16;
	v39 =	vld [tilespmem:s14+$0x0];
	[tilespmem:s17+$0x0] =	vst v32  }
0xa3: {  	s18 =	sor.u32 $0x100, s20;
	s22 =	sadd.s32 s5, s16;
	[tilespmem:s9+$0x0] =	vst v34;
	v40 =	vld [tilespmem:s12+$0x0]  }
0xa4: {  	s15 =	sadd.s32 s18, s8;
	v35 =	vadd.f32 v36, v35;
	s17 =	sadd.s32 s1, s7;
	v59 =	vld [tilespmem:s22+$0x0]  }
0xa5: {  	s4 =	sadd.s32 s10, s15;
	v41 =	vld [tilespmem:s17+$0x0]  }
0xa6: {  	s23 =	sadd.s32 s10, s16;
	v30 =	vld [tilespmem:s4+$0x0];
	[tilespmem:s19+$0x0] =	vst v35  }
0xa7: {  	s24 =	sor.u32 $0x180, s20;
	v31 =	vimm.f32 $0.0e+00;
	v42 =	vmul.f32 v32, v32;
	s7 =	sadd.s32 s2, s15;
	v45 =	vld [tilespmem:s23+$0x0]  }
0xa8: {  	s26 =	sadd.s32 s24, s30;
	v32 =	vadd.f32 v32, v31;
	v40 =	vadd.f32 v40, v38;
	v38 =	vld [tilespmem:s7+$0x0];
	[dreg:$0xb] =	wrdreg s18  }
0xa9: {  	v44 =	vmul.f32 v34, v34;
	s19 =	sadd.s32 s18, s30;
	v43 =	vadd.f32 v42, v31;
	s18 =	sadd.s32 s5, s15;
	[dreg:$0x9] =	wrdreg s20;
	v60 =	vadd.f32 v59, v37  }
0xaa: {  	s31 =	sadd.s32 s1, s11;
	s0 =	sadd.s32 s5, s26;
	v32 =	vadd.f32 v34, v32;
	v41 =	vadd.f32 v33, v41;
	v42 =	vld [tilespmem:s18+$0x0];
	[tilespmem:s21+$0x0] =	vst v40  }
0xab: {  	s29 =	sadd.s32 s10, s26;
	s16 =	sadd.s32 s1, s16;
	s25 =	sadd.s32 s2, s19;
	v62 =	vadd.f32 v44, v43;
	v43 =	vld [tilespmem:s31+$0x0];
	[tilespmem:s13+$0x0] =	vst v60  }
0xac: {  	v61 =	vmul.f32 v35, v35;
	s30 =	sadd.s32 s24, s8;
	s12 =	simm.s32 $0x0;
	s28 =	sadd.s32 s5, s19;
	v34 =	vimm.f32 $0.0e+00;
	v32 =	vadd.f32 v35, v32;
	[tilespmem:s17+$0x0] =	vst v41;
	v44 =	vld [tilespmem:s25+$0x0]  }
0xad: {  	s23 =	sadd.s32 s2, s26;
	s26 =	sadd.s32 s1, s26;
	v39 =	vadd.f32 v45, v39;
	v63 =	vmul.f32 v40, v40;
	v40 =	vadd.f32 v40, v31;
	v47 =	vld [tilespmem:s28+$0x0];
	[dreg:$0xc] =	wrdreg s24  }
0xae: {  	s11 =	sadd.s32 s2, s30;
	s8 =	sadd.s32 s5, s30;
	v35 =	vadd.f32 v61, v62;
	s5 =	sadd.s32 s10, s30;
	v37 =	vimm.f32 $0.0e+00;
	v46 =	vmul.f32 v60, v60;
	v49 =	vld [tilespmem:s16+$0x0]  }
0xaf: {  	s20 =	sadd.s32 s1, s15;
	s15 =	simm.s32 $0x0;
	s13 =	sadd.s32 s1, s30;
	v48 =	vmul.f32 v39, v39;
	v33 =	vadd.f32 v41, v32;
	v45 =	vadd.f32 v60, v40;
	v40 =	vld [tilespmem:s11+$0x0]  }
0xb0: {  	v36 =	vmul.f32 v41, v41;
	v32 =	vimm.f32 $0.0e+00;
	s24 =	sadd.s32 s1, s19;
	s25 =	sadd.s32 s10, s19;
	v50 =	vadd.f32 v63, v31;
	[tilespmem:s14+$0x0] =	vst v39;
	v41 =	vld [tilespmem:s8+$0x0];
	s14 =	simm.s32 $0x0  }
.LBB2_6:
0xb1: {  	v55 =	vld [tilespmem:s25+$0x0]  }
0xb2: {  	v39 =	vadd.f32 v39, v45;
	v45 =	vld [tilespmem:s13+$0x0];
	v44 =	vadd.f32 v44, v38  }
0xb3: {  	[dreg:$0xf] =	wrdreg s26;
	s15 =	sadd.s32 $0x200, s15;
	v38 =	vld [tilespmem:s5+$0x0];
	v42 =	vadd.f32 v47, v42  }
0xb4: {  	s1 =	rddreg [dreg:$0x8];
	s14 =	sadd.s32 $0x40, s14;
	s16 =	sand.u32 $0x1C00, s15;
	v47 =	vld [tilespmem:s20+$0x0];
	v43 =	vadd.f32 v49, v43;
	[tilespmem:s7+$0x0] =	vst v44  }
0xb5: {  	s26 =	rddreg [dreg:$0x9];
	s10 =	sand.u32 $0x40, s14;
	s1 =	sadd.s32 s16, s1;
	[tilespmem:s18+$0x0] =	vst v42;
	v56 =	vld [tilespmem:s23+$0x0]  }
0xb6: {  	s21 =	sor.u32 $0x10, s10;
	s6 =	sadd.s32 s26, s1;
	[tilespmem:s31+$0x0] =	vst v43;
	v58 =	vld [tilespmem:s0+$0x0]  }
0xb7: {  	s2 =	rddreg [dreg:$0x7];
	s28 =	sadd.s32 s21, s6;
	v60 =	vld [tilespmem:s24+$0x0]  }
0xb8: {  	v46 =	vadd.f32 v46, v50;
	s19 =	sadd.s32 s16, s2;
	s2 =	sor.u32 $0x30, s10;
	s3 =	sadd.s32 s10, s6;
	v61 =	vld [tilespmem:s28+$0x0]  }
0xb9: {  	s30 =	sadd.s32 s2, s6;
	v31 =	vadd.f32 v44, v31;
	v44 =	vmul.f32 v44, v44;
	s7 =	sadd.s32 s26, s19;
	v62 =	vld [tilespmem:s3+$0x0]  }
0xba: {  	s16 =	sor.u32 $0x20, s10;
	v57 =	vadd.f32 v48, v46;
	v30 =	vadd.f32 v55, v30;
	v59 =	vmul.f32 v43, v43;
	s26 =	sadd.s32 s10, s7;
	v49 =	vld [tilespmem:s30+$0x0]  }
0xbb: {  	[dreg:$0xd] =	wrdreg s13;
	s13 =	sadd.s32 s16, s7;
	v34 =	vadd.f32 v44, v34;
	v31 =	vadd.f32 v42, v31;
	v42 =	vmul.f32 v42, v42;
	v54 =	vld [tilespmem:s26+$0x0]  }
0xbc: {  	s9 =	rddreg [dreg:$0xa];
	v35 =	vadd.f32 v36, v35;
	s3 =	smov.u32 s29;
	s29 =	sadd.s32 s16, s6;
	[tilespmem:s4+$0x0] =	vst v30;
	v36 =	vadd.f32 v59, v57;
	v57 =	vld [tilespmem:s13+$0x0]  }
0xbd: {  	s17 =	rddreg [dreg:$0xb];
	s25 =	sadd.s32 s9, s19;
	s28 =	sadd.s32 s21, s7;
	v59 =	vld [tilespmem:s29+$0x0];
	v34 =	vadd.f32 v42, v34;
	v41 =	vadd.f32 v58, v41  }
0xbe: {  	s6 =	sadd.s32 s16, s25;
	v63 =	vmul.f32 v30, v30;
	s30 =	rddreg [dreg:$0xc];
	v40 =	vadd.f32 v56, v40;
	v55 =	vadd.f32 v60, v47;
	v56 =	vld [tilespmem:s28+$0x0]  }
0xbf: {  	s31 =	sadd.s32 s2, s25;
	s4 =	sadd.s32 s30, s1;
	v48 =	vld [tilespmem:s6+$0x0];
	v30 =	vadd.f32 v30, v31;
	[tilespmem:s8+$0x0] =	vst v41;
	s8 =	sadd.s32 s21, s25  }
0xc0: {  	s23 =	sadd.s32 s9, s1;
	v34 =	vadd.f32 v63, v34;
	[tilespmem:s11+$0x0] =	vst v40;
	s11 =	sadd.s32 s16, s4;
	v58 =	vmul.f32 v55, v55;
	s25 =	sadd.s32 s10, s25;
	v42 =	vld [tilespmem:s8+$0x0]  }
0xc1: {  	s18 =	sadd.s32 s10, s23;
	[tilespmem:s20+$0x0] =	vst v55;
	v31 =	vadd.f32 v55, v30;
	v30 =	vadd.f32 v62, v54;
	v44 =	vld [tilespmem:s25+$0x0];
	s29 =	smov.u32 s11;
	s11 =	rddreg [dreg:$0xf]  }
0xc2: {  	v39 =	vadd.f32 v43, v39;
	s9 =	sadd.s32 s21, s23;
	s24 =	sadd.s32 s16, s23;
	s23 =	sadd.s32 s2, s23;
	v34 =	vadd.f32 v58, v34;
	v58 =	vld [tilespmem:s11+$0x0]  }
0xc3: {  	s22 =	sadd.s32 s17, s19;
	[dreg:$0xe] =	wrdreg s23;
	s23 =	sadd.s32 s10, s4;
	[tilespmem:s26+$0x0] =	vst v30;
	v33 =	vadd.f32 v30, v33;
	v60 =	vmul.f32 v30, v30;
	v43 =	vadd.f32 v61, v56;
	v61 =	vld [tilespmem:s3+$0x0]  }
0xc4: {  	s0 =	sadd.s32 s21, s4;
	v47 =	vadd.f32 v59, v57;
	v51 =	vmul.f32 v40, v40;
	s20 =	sadd.s32 s2, s4;
	s4 =	sadd.s32 s16, s22;
	v32 =	vadd.f32 v40, v32;
	v62 =	vld [tilespmem:s18+$0x0]  }
0xc5: {  	v30 =	vld [tilespmem:s4+$0x0];
	v35 =	vadd.f32 v60, v35;
	[tilespmem:s28+$0x0] =	vst v43;
	v33 =	vadd.f32 v43, v33;
	v43 =	vmul.f32 v43, v43  }
0xc6: {  	v37 =	vadd.f32 v51, v37;
	s28 =	sadd.s32 s2, s7;
	v63 =	vld [tilespmem:s9+$0x0]  }
0xc7: {  	v52 =	vmul.f32 v47, v47;
	s26 =	smov.u32 s20;
	v32 =	vadd.f32 v41, v32;
	s20 =	sadd.s32 s30, s19;
	[tilespmem:s13+$0x0] =	vst v47;
	v56 =	vld [tilespmem:s28+$0x0];
	v35 =	vadd.f32 v43, v35  }
0xc8: {  	s11 =	sadd.s32 s10, s20;
	v59 =	vld [tilespmem:s24+$0x0];
	v33 =	vadd.f32 v47, v33;
	v57 =	vadd.f32 v61, v38;
	v61 =	vmul.f32 v41, v41  }
0xc9: {  	v40 =	vld [tilespmem:s11+$0x0];
	v45 =	vadd.f32 v58, v45;
	v60 =	vadd.f32 v62, v44  }
0xca: {  	s12 =	sadd.s32 $0x4, s12;
	s7 =	sadd.s32 s10, s22;
	v43 =	vld [tilespmem:s31+$0x0];
	v35 =	vadd.f32 v52, v35;
	v37 =	vadd.f32 v61, v37  }
0xcb: {  	p0 =	slt.u32 s12, $0x2C;
	s1 =	sadd.s32 s17, s1;
	s18 =	sadd.s32 s21, s22;
	v38 =	vld [tilespmem:s7+$0x0];
	[tilespmem:s5+$0x0] =	vst v57;
	v32 =	vadd.f32 v57, v32;
	v54 =	vmul.f32 v57, v57;
	v51 =	vadd.f32 v63, v42  }
.Ltmp1:
0xcc: {  	s13 =	sadd.s32 s10, s1;
	[tilespmem:s25+$0x0] =	vst v60;
	v62 =	vmul.f32 v60, v60;
	v55 =	vadd.f32 v60, v39;
	v42 =	vld [tilespmem:s18+$0x0];
	v53 =	vadd.f32 v49, v56;
	(pc) =	sbr.rel @p0 .LBB2_6-.Ltmp1, $4  }
0xcd: {  	s17 =	sadd.s32 s21, s1;
	s30 =	rddreg [dreg:$0xd];
	v39 =	vadd.f32 v59, v48;
	v44 =	vld [tilespmem:s13+$0x0];
	v37 =	vadd.f32 v54, v37;
	[tilespmem:s8+$0x0] =	vst v51  }
0xce: {  	v63 =	vmul.f32 v45, v45;
	v32 =	vadd.f32 v45, v32;
	v50 =	vadd.f32 v62, v36;
	[tilespmem:s28+$0x0] =	vst v53;
	s28 =	rddreg [dreg:$0xe];
	v47 =	vld [tilespmem:s17+$0x0]  }
0xcf: {  	s24 =	sadd.s32 s2, s1;
	s25 =	sadd.s32 s16, s1;
	[tilespmem:s6+$0x0] =	vst v39;
	v48 =	vmul.f32 v39, v39;
	v46 =	vmul.f32 v51, v51;
	s8 =	sadd.s32 s21, s20;
	v33 =	vadd.f32 v53, v33;
	v49 =	vld [tilespmem:s28+$0x0]  }
0xd0: {  	s5 =	sadd.s32 s16, s20;
	s13 =	sadd.s32 s2, s20;
	v36 =	vmul.f32 v53, v53;
	s20 =	sadd.s32 s2, s22;
	[tilespmem:s30+$0x0] =	vst v45;
	v45 =	vadd.f32 v51, v55;
	v41 =	vld [tilespmem:s8+$0x0];
	v37 =	vadd.f32 v63, v37  }
0xd1: {  	_ =	sdelay $0x2  }
0xd2: {  	v43 =	vadd.f32 v49, v43  }
0xd3: {  	v56 =	vld [tilespmem:s20+$0x0]  }
0xd4: {  	v51 =	vld [tilespmem:s25+$0x0];
	[tilespmem:s31+$0x0] =	vst v43  }
0xd5: {  	v52 =	vld [tilespmem:s24+$0x0]  }
0xd6: {  	v38 =	vadd.f32 v44, v38  }
0xd7: {  	v42 =	vadd.f32 v47, v42  }
0xd8: {  	v57 =	vld [tilespmem:s5+$0x0];
	[tilespmem:s7+$0x0] =	vst v38  }
0xd9: {  	v58 =	vld [tilespmem:s23+$0x0];
	[tilespmem:s18+$0x0] =	vst v42;
	v30 =	vadd.f32 v51, v30  }
0xda: {  	v59 =	vld [tilespmem:s0+$0x0];
	v49 =	vadd.f32 v52, v56  }
0xdb: {  	v60 =	vld [tilespmem:s13+$0x0];
	[tilespmem:s4+$0x0] =	vst v30  }
0xdc: {  	v53 =	vld [tilespmem:s29+$0x0];
	[tilespmem:s20+$0x0] =	vst v49  }
0xdd: {  	v63 =	vld [tilespmem:s26+$0x0]  }
0xde: {  	v46 =	vadd.f32 v46, v50  }
0xdf: {  	v62 =	vadd.f32 v39, v45;
	v40 =	vadd.f32 v58, v40  }
0xe0: {  	v35 =	vadd.f32 v36, v35;
	v54 =	vadd.f32 v59, v41  }
0xe1: {  	v61 =	vmul.f32 v38, v38;
	v31 =	vadd.f32 v38, v31;
	[tilespmem:s11+$0x0] =	vst v40;
	v56 =	vadd.f32 v53, v57  }
0xe2: {  	v48 =	vadd.f32 v48, v46;
	[tilespmem:s8+$0x0] =	vst v54;
	v39 =	vadd.f32 v63, v60  }
0xe3: {  	v55 =	vmul.f32 v42, v42;
	v34 =	vadd.f32 v61, v34;
	v31 =	vadd.f32 v42, v31;
	[tilespmem:s5+$0x0] =	vst v56  }
0xe4: {  	v50 =	vmul.f32 v43, v43;
	v58 =	vmul.f32 v40, v40;
	v32 =	vadd.f32 v40, v32;
	[tilespmem:s13+$0x0] =	vst v39  }
0xe5: {  	v38 =	vadd.f32 v43, v62;
	v59 =	vmul.f32 v30, v30;
	v30 =	vadd.f32 v30, v31;
	s2 =	rddreg [dreg:$0x1e]  }
0xe6: {  	v31 =	vadd.f32 v58, v37;
	v32 =	vadd.f32 v54, v32;
	v60 =	vmul.f32 v54, v54;
	s31 =	sshll.u32 s2, $0x6  }
0xe7: {  	v34 =	vadd.f32 v55, v34;
	v57 =	vadd.f32 v50, v48;
	[tilespmem:s31+$0x1E400] =	vst v33  }
0xe8: {  	v62 =	vmul.f32 v56, v56;
	v32 =	vadd.f32 v56, v32;
	v31 =	vadd.f32 v60, v31;
	s2 =	sadd.s32 $0x1, s2;
	[tilespmem:s31+$0x1E600] =	vst v35  }
0xe9: {  	v34 =	vadd.f32 v59, v34;
	v61 =	vmul.f32 v49, v49;
	v30 =	vadd.f32 v49, v30;
	[tilespmem:s31+$0x1E410] =	vst v38;
	p0 =	sne.s32 s2, $0x8  }
.Ltmp2:
0xea: {  	v63 =	vmul.f32 v39, v39;
	v32 =	vadd.f32 v39, v32;
	v31 =	vadd.f32 v62, v31;
	[tilespmem:s31+$0x1E610] =	vst v57;
	(pc) =	sbr.rel @p0 .LBB2_5-.Ltmp2, $4  }
0xeb: {  	v33 =	vadd.f32 v61, v34;
	[tilespmem:s31+$0x1E420] =	vst v30  }
0xec: {  	[tilespmem:s31+$0x1E430] =	vst v32;
	v30 =	vadd.f32 v63, v31  }
0xed: {  	[tilespmem:s31+$0x1E620] =	vst v33  }
0xee: {  	[tilespmem:s31+$0x1E630] =	vst v30  }
0xef: {  	_ =	sdelay $0x2  }
0xf0: {  	s0 =	simm.s32 $0x1E400  }
0xf1: {  	s1 =	simm.s32 $0x1E600;
	v30 =	vld.idx.msk [tilespmem:v0+s0+$0x0], $0xffff  }
0xf2: {  	v31 =	vld.idx.msk [tilespmem:v0+s1+$0x0], $0xffff  }
0xf3: {  	v32 =	vld.idx.msk [tilespmem:v4+s0+$0x0], $0xffff  }
0xf4: {  	v33 =	vld.idx.msk [tilespmem:v4+s1+$0x0], $0xffff  }
0xf5: {  	v34 =	vld.idx.msk [tilespmem:v5+s0+$0x0], $0xffff  }
0xf6: {  	v35 =	vld.idx.msk [tilespmem:v5+s1+$0x0], $0xffff;
	v30 =	vadd.f32 $0.0e+00, v30  }
0xf7: {  	v36 =	vld.idx.msk [tilespmem:v6+s0+$0x0], $0xffff  }
0xf8: {  	v62 =	vld.idx.msk [tilespmem:v6+s1+$0x0], $0xffff;
	v31 =	vadd.f32 $0.0e+00, v31;
	v30 =	vadd.f32 v32, v30  }
0xf9: {  	v37 =	vld.idx.msk [tilespmem:v7+s0+$0x0], $0xffff  }
0xfa: {  	v63 =	vld.idx.msk [tilespmem:v7+s1+$0x0], $0xffff;
	v31 =	vadd.f32 v33, v31;
	v30 =	vadd.f32 v34, v30  }
0xfb: {  	v40 =	vld.idx.msk [tilespmem:v8+s0+$0x0], $0xffff  }
0xfc: {  	v41 =	vld.idx.msk [tilespmem:v8+s1+$0x0], $0xffff;
	v31 =	vadd.f32 v35, v31;
	v30 =	vadd.f32 v36, v30  }
0xfd: {  	v42 =	vld.idx.msk [tilespmem:v9+s0+$0x0], $0xffff  }
0xfe: {  	v43 =	vld.idx.msk [tilespmem:v9+s1+$0x0], $0xffff;
	v31 =	vadd.f32 v62, v31;
	v30 =	vadd.f32 v37, v30  }
0xff: {  	v44 =	vld.idx.msk [tilespmem:v10+s0+$0x0], $0xffff  }
0x100: {  	v45 =	vld.idx.msk [tilespmem:v10+s1+$0x0], $0xffff;
	v31 =	vadd.f32 v63, v31;
	v30 =	vadd.f32 v40, v30  }
0x101: {  	v46 =	vld.idx.msk [tilespmem:v11+s0+$0x0], $0xffff  }
0x102: {  	v47 =	vld.idx.msk [tilespmem:v11+s1+$0x0], $0xffff;
	v31 =	vadd.f32 v41, v31;
	v30 =	vadd.f32 v42, v30  }
0x103: {  	v48 =	vld.idx.msk [tilespmem:v12+s0+$0x0], $0xffff  }
0x104: {  	v49 =	vld.idx.msk [tilespmem:v12+s1+$0x0], $0xffff;
	v31 =	vadd.f32 v43, v31;
	v30 =	vadd.f32 v44, v30  }
0x105: {  	v50 =	vld.idx.msk [tilespmem:v13+s0+$0x0], $0xffff  }
0x106: {  	v51 =	vld.idx.msk [tilespmem:v13+s1+$0x0], $0xffff;
	v31 =	vadd.f32 v45, v31;
	v30 =	vadd.f32 v46, v30  }
0x107: {  	v52 =	vld.idx.msk [tilespmem:v14+s0+$0x0], $0xffff  }
0x108: {  	v53 =	vld.idx.msk [tilespmem:v14+s1+$0x0], $0xffff;
	v31 =	vadd.f32 v47, v31;
	v30 =	vadd.f32 v48, v30  }
0x109: {  	v54 =	vld.idx.msk [tilespmem:v15+s0+$0x0], $0xffff  }
0x10a: {  	v55 =	vld.idx.msk [tilespmem:v15+s1+$0x0], $0xffff;
	v31 =	vadd.f32 v49, v31;
	v30 =	vadd.f32 v50, v30  }
0x10b: {  	v56 =	vld.idx.msk [tilespmem:v16+s0+$0x0], $0xffff  }
0x10c: {  	v57 =	vld.idx.msk [tilespmem:v16+s1+$0x0], $0xffff;
	v31 =	vadd.f32 v51, v31;
	v30 =	vadd.f32 v52, v30  }
0x10d: {  	v58 =	vld.idx.msk [tilespmem:v17+s0+$0x0], $0xffff  }
0x10e: {  	v59 =	vld.idx.msk [tilespmem:v17+s1+$0x0], $0xffff;
	v31 =	vadd.f32 v53, v31;
	v30 =	vadd.f32 v54, v30  }
0x10f: {  	v60 =	vld.idx.msk [tilespmem:v18+s0+$0x0], $0xffff  }
0x110: {  	v61 =	vld.idx.msk [tilespmem:v18+s1+$0x0], $0xffff;
	v31 =	vadd.f32 v55, v31;
	v30 =	vadd.f32 v56, v30  }
0x111: {  	v62 =	vld.idx.msk [tilespmem:v19+s0+$0x0], $0xffff  }
0x112: {  	v63 =	vld.idx.msk [tilespmem:v19+s1+$0x0], $0xffff;
	v31 =	vadd.f32 v57, v31;
	v30 =	vadd.f32 v58, v30  }
0x113: {  	v42 =	vld.idx.msk [tilespmem:v20+s0+$0x0], $0xffff  }
0x114: {  	v43 =	vld.idx.msk [tilespmem:v20+s1+$0x0], $0xffff;
	v31 =	vadd.f32 v59, v31;
	v30 =	vadd.f32 v60, v30  }
0x115: {  	v44 =	vld.idx.msk [tilespmem:v21+s0+$0x0], $0xffff  }
0x116: {  	v33 =	vadd.f32 $0.0e+00, v62;
	v45 =	vld.idx.msk [tilespmem:v21+s1+$0x0], $0xffff;
	v31 =	vadd.f32 v61, v31;
	v30 =	vmul.f32 $1.302083370e-03, v30  }
0x117: {  	v39 =	vld.idx.msk [tilespmem:v22+s0+$0x0], $0xffff;
	v34 =	vadd.f32 $0.0e+00, v63  }
0x118: {  	v46 =	vld.idx.msk [tilespmem:v22+s1+$0x0], $0xffff;
	v33 =	vadd.f32 v42, v33;
	v31 =	vmul.f32 $1.302083370e-03, v31;
	v38 =	vmul.f32 v30, v30  }
0x119: {  	v47 =	vld.idx.msk [tilespmem:v23+s0+$0x0], $0xffff;
	v34 =	vadd.f32 v43, v34  }
0x11a: {  	v48 =	vld.idx.msk [tilespmem:v23+s1+$0x0], $0xffff;
	v32 =	vadd.f32 v44, v33;
	v31 =	vsub.f32 v31, v38  }
0x11b: {  	v49 =	vld.idx.msk [tilespmem:v24+s0+$0x0], $0xffff;
	v34 =	vadd.f32 v45, v34  }
0x11c: {  	v50 =	vld.idx.msk [tilespmem:v24+s1+$0x0], $0xffff;
	v32 =	vadd.f32 v39, v32;
	v31 =	vadd.f32 $9.999999960e-13, v31  }
0x11d: {  	v40 =	vld.idx.msk [tilespmem:v25+s0+$0x0], $0xffff;
	v34 =	vadd.f32 v46, v34  }
0x11e: {  	v52 =	vld.idx.msk [tilespmem:v25+s1+$0x0], $0xffff;
	v32 =	vadd.f32 v47, v32;
	v51 =	vshra.s32 v31, $0x1;
	v31 =	vmul.f32 $5.000000000e-01, v31  }
0x11f: {  	v41 =	vld.idx.msk [tilespmem:v26+s0+$0x0], $0xffff;
	v33 =	vadd.f32 v48, v34;
	v39 =	vsub.s32 $0x5F3759DF, v51  }
0x120: {  	v54 =	vld.idx.msk [tilespmem:v26+s1+$0x0], $0xffff;
	v32 =	vadd.f32 v49, v32;
	v53 =	vmul.f32 v39, v31  }
0x121: {  	v33 =	vadd.f32 v50, v33;
	v56 =	vld.idx.msk [tilespmem:v27+s0+$0x0], $0xffff  }
0x122: {  	v57 =	vld.idx.msk [tilespmem:v27+s1+$0x0], $0xffff;
	v32 =	vadd.f32 v40, v32;
	v58 =	vor.u32 $0x10B, v0;
	v55 =	vmul.f32 v39, v53  }
0x123: {  	v42 =	vld.idx.msk [tilespmem:v28+s0+$0x0], $0xffff;
	v33 =	vadd.f32 v52, v33  }
0x124: {  	v59 =	vld.idx.msk [tilespmem:v28+s1+$0x0], $0xffff;
	v32 =	vadd.f32 v41, v32;
	v60 =	vor.u32 $0x10C, v0;
	v36 =	vsub.f32 $1.500000000e+00, v55  }
0x125: {  	v33 =	vadd.f32 v54, v33;
	v61 =	vld.idx.msk [tilespmem:v29+s0+$0x0], $0xffff  }
0x126: {  	v62 =	vld.idx.msk [tilespmem:v29+s1+$0x0], $0xffff;
	v63 =	vor.u32 $0x10D, v0;
	v32 =	vadd.f32 v56, v32;
	v36 =	vmul.f32 v39, v36  }
0x127: {  	v33 =	vadd.f32 v57, v33;
	v44 =	vld.idx.msk [tilespmem:v58+s0+$0x0], $0xffff  }
0x128: {  	v49 =	vor.u32 $0x10E, v0;
	v32 =	vadd.f32 v42, v32;
	v48 =	vld.idx.msk [tilespmem:v58+s1+$0x0], $0xffff;
	v43 =	vmul.f32 v36, v31  }
0x129: {  	v33 =	vadd.f32 v59, v33;
	v51 =	vld.idx.msk [tilespmem:v60+s0+$0x0], $0xffff  }
0x12a: {  	v32 =	vadd.f32 v61, v32;
	v52 =	vld.idx.msk [tilespmem:v60+s1+$0x0], $0xffff;
	v53 =	vor.u32 $0x10F, v0;
	v50 =	vmul.f32 v43, v36  }
0x12b: {  	v33 =	vadd.f32 v62, v33;
	v55 =	vld.idx.msk [tilespmem:v63+s0+$0x0], $0xffff  }
0x12c: {  	v56 =	vld.idx.msk [tilespmem:v63+s1+$0x0], $0xffff;
	v32 =	vadd.f32 v44, v32;
	v54 =	vsub.f32 $1.500000000e+00, v50  }
0x12d: {  	v57 =	vld.idx.msk [tilespmem:v49+s0+$0x0], $0xffff;
	v33 =	vadd.f32 v48, v33  }
0x12e: {  	v58 =	vld.idx.msk [tilespmem:v49+s1+$0x0], $0xffff;
	v32 =	vadd.f32 v51, v32;
	v36 =	vmul.f32 v54, v36  }
0x12f: {  	v33 =	vadd.f32 v52, v33;
	v59 =	vld.idx.msk [tilespmem:v53+s0+$0x0], $0xffff  }
0x130: {  	v60 =	vld.idx.msk [tilespmem:v53+s1+$0x0], $0xffff;
	v32 =	vadd.f32 v55, v32;
	v31 =	vmul.f32 v36, v31  }
0x131: {  	v33 =	vadd.f32 v56, v33  }
0x132: {  	v32 =	vadd.f32 v57, v32;
	v31 =	vmul.f32 v31, v36  }
0x133: {  	v33 =	vadd.f32 v58, v33  }
0x134: {  	v32 =	vadd.f32 v59, v32;
	v31 =	vsub.f32 $1.500000000e+00, v31  }
0x135: {  	v33 =	vadd.f32 v60, v33  }
0x136: {  	v30 =	vsub.f32 $0.0e+00, v30;
	v32 =	vmul.f32 $1.302083370e-03, v32;
	v31 =	vmul.f32 v31, v36  }
0x137: {  	v33 =	vmul.f32 $1.302083370e-03, v33  }
0x138: {  	v61 =	vmul.f32 v32, v32;
	v30 =	vmul.f32 v31, v30  }
0x139: {  	(v2sf) =	vpush v31, $0x0  }
0x13a: {  	v33 =	vsub.f32 v33, v61;
	(v2sf) =	vpush v30, $0x0  }
0x13b: {  	(v2sf) =	vpush v31, $0x1  }
0x13c: {  	v33 =	vadd.f32 $9.999999960e-13, v33;
	(v2sf) =	vpush v30, $0x1  }
0x13d: {  	(v2sf) =	vpush v31, $0x2  }
0x13e: {  	v62 =	vshra.s32 v33, $0x1;
	v33 =	vmul.f32 $5.000000000e-01, v33;
	(v2sf) =	vpush v30, $0x2  }
0x13f: {  	v34 =	vsub.s32 $0x5F3759DF, v62;
	(v2sf) =	vpush v31, $0x3  }
0x140: {  	v63 =	vmul.f32 v34, v33;
	(v2sf) =	vpush v30, $0x3  }
0x141: {  	(v2sf) =	vpush v31, $0x4  }
0x142: {  	v35 =	vmul.f32 v34, v63;
	(v2sf) =	vpush v30, $0x4  }
0x143: {  	(v2sf) =	vpush v31, $0x5  }
0x144: {  	v35 =	vsub.f32 $1.500000000e+00, v35;
	(v2sf) =	vpush v30, $0x5  }
0x145: {  	(v2sf) =	vpush v31, $0x6  }
0x146: {  	v34 =	vmul.f32 v34, v35;
	(v2sf) =	vpush v30, $0x6  }
0x147: {  	(v2sf) =	vpush v31, $0x7  }
0x148: {  	v35 =	vmul.f32 v34, v33;
	s26 =	spop (v2sf);
	(v2sf) =	vpush v30, $0x7  }
0x149: {  	[smem:$0x0] =	sst s26;
	s28 =	spop (v2sf);
	(v2sf) =	vpush v31, $0x8  }
0x14a: {  	v35 =	vmul.f32 v35, v34;
	[smem:$0x80] =	sst s28;
	s29 =	spop (v2sf);
	(v2sf) =	vpush v30, $0x8  }
0x14b: {  	[smem:$0x1] =	sst s29;
	s30 =	spop (v2sf);
	(v2sf) =	vpush v31, $0x9  }
0x14c: {  	v35 =	vsub.f32 $1.500000000e+00, v35;
	[smem:$0x81] =	sst s30;
	s31 =	spop (v2sf);
	(v2sf) =	vpush v30, $0x9  }
0x14d: {  	[smem:$0x2] =	sst s31;
	s1 =	spop (v2sf);
	(v2sf) =	vpush v31, $0xA  }
0x14e: {  	v34 =	vmul.f32 v35, v34;
	[smem:$0x82] =	sst s1;
	s2 =	spop (v2sf);
	(v2sf) =	vpush v30, $0xA  }
0x14f: {  	[smem:$0x3] =	sst s2;
	s3 =	spop (v2sf);
	(v2sf) =	vpush v31, $0xB  }
0x150: {  	v33 =	vmul.f32 v34, v33;
	[smem:$0x83] =	sst s3;
	s4 =	spop (v2sf);
	(v2sf) =	vpush v30, $0xB  }
0x151: {  	[smem:$0x4] =	sst s4;
	s5 =	spop (v2sf);
	(v2sf) =	vpush v31, $0xC  }
0x152: {  	v33 =	vmul.f32 v33, v34;
	[smem:$0x84] =	sst s5;
	s6 =	spop (v2sf);
	(v2sf) =	vpush v30, $0xC  }
0x153: {  	[smem:$0x5] =	sst s6;
	s7 =	spop (v2sf);
	(v2sf) =	vpush v31, $0xD  }
0x154: {  	v33 =	vsub.f32 $1.500000000e+00, v33;
	[smem:$0x85] =	sst s7;
	s8 =	spop (v2sf);
	(v2sf) =	vpush v30, $0xD  }
0x155: {  	[smem:$0x6] =	sst s8;
	s9 =	spop (v2sf);
	(v2sf) =	vpush v31, $0xE  }
0x156: {  	v32 =	vsub.f32 $0.0e+00, v32;
	v33 =	vmul.f32 v33, v34;
	[smem:$0x86] =	sst s9;
	s10 =	spop (v2sf);
	(v2sf) =	vpush v30, $0xE  }
0x157: {  	[smem:$0x7] =	sst s10;
	s11 =	spop (v2sf);
	(v2sf) =	vpush v31, $0xF  }
0x158: {  	[smem:$0x87] =	sst s11;
	s12 =	spop (v2sf);
	(v2sf) =	vpush v30, $0xF;
	v30 =	vmul.f32 v33, v32  }
0x159: {  	[smem:$0x8] =	sst s12;
	s13 =	spop (v2sf);
	(v2sf) =	vpush v33, $0x0  }
0x15a: {  	[smem:$0x88] =	sst s13;
	s14 =	spop (v2sf);
	(v2sf) =	vpush v30, $0x0  }
0x15b: {  	[smem:$0x9] =	sst s14;
	s15 =	spop (v2sf);
	(v2sf) =	vpush v33, $0x1  }
0x15c: {  	[smem:$0x89] =	sst s15;
	s16 =	spop (v2sf)  }
0x15d: {  	(v2sf) =	vpush v30, $0x1;
	[smem:$0xA] =	sst s16;
	s17 =	spop (v2sf)  }
0x15e: {  	(v2sf) =	vpush v33, $0x2;
	[smem:$0x8A] =	sst s17;
	s18 =	spop (v2sf)  }
0x15f: {  	(v2sf) =	vpush v30, $0x2;
	[smem:$0xB] =	sst s18;
	s19 =	spop (v2sf)  }
0x160: {  	(v2sf) =	vpush v33, $0x3;
	[smem:$0x8B] =	sst s19;
	s20 =	spop (v2sf)  }
0x161: {  	(v2sf) =	vpush v30, $0x3;
	[smem:$0xC] =	sst s20;
	s21 =	spop (v2sf)  }
0x162: {  	(v2sf) =	vpush v33, $0x4;
	[smem:$0x8C] =	sst s21;
	s22 =	spop (v2sf)  }
0x163: {  	(v2sf) =	vpush v30, $0x4;
	[smem:$0xD] =	sst s22;
	s23 =	spop (v2sf)  }
0x164: {  	(v2sf) =	vpush v33, $0x5;
	[smem:$0x8D] =	sst s23;
	s24 =	spop (v2sf)  }
0x165: {  	(v2sf) =	vpush v30, $0x5;
	[smem:$0xE] =	sst s24;
	s25 =	spop (v2sf)  }
0x166: {  	(v2sf) =	vpush v33, $0x6;
	[smem:$0x8E] =	sst s25;
	s26 =	spop (v2sf)  }
0x167: {  	(v2sf) =	vpush v30, $0x6;
	[smem:$0xF] =	sst s26;
	s28 =	spop (v2sf)  }
0x168: {  	(v2sf) =	vpush v33, $0x7;
	[smem:$0x8F] =	sst s28;
	s29 =	spop (v2sf)  }
0x169: {  	(v2sf) =	vpush v30, $0x7;
	[smem:$0x10] =	sst s29;
	s30 =	spop (v2sf)  }
0x16a: {  	(v2sf) =	vpush v33, $0x8;
	[smem:$0x90] =	sst s30;
	s31 =	spop (v2sf)  }
0x16b: {  	(v2sf) =	vpush v30, $0x8;
	[smem:$0x11] =	sst s31  }
0x16c: {  	s1 =	spop (v2sf);
	s31 =	rddreg [dreg:$0x1c]  }
0x16d: {  	(v2sf) =	vpush v33, $0x9;
	[smem:$0x91] =	sst s1;
	s2 =	spop (v2sf)  }
0x16e: {  	(v2sf) =	vpush v30, $0x9;
	[smem:$0x12] =	sst s2;
	s3 =	spop (v2sf)  }
0x16f: {  	(v2sf) =	vpush v33, $0xA;
	[smem:$0x92] =	sst s3;
	s4 =	spop (v2sf)  }
0x170: {  	(v2sf) =	vpush v30, $0xA;
	[smem:$0x13] =	sst s4;
	s5 =	spop (v2sf)  }
0x171: {  	(v2sf) =	vpush v33, $0xB;
	[smem:$0x93] =	sst s5;
	s6 =	spop (v2sf)  }
0x172: {  	(v2sf) =	vpush v30, $0xB;
	[smem:$0x14] =	sst s6;
	s7 =	spop (v2sf)  }
0x173: {  	(v2sf) =	vpush v33, $0xC;
	[smem:$0x94] =	sst s7;
	s8 =	spop (v2sf)  }
0x174: {  	(v2sf) =	vpush v30, $0xC;
	[smem:$0x15] =	sst s8;
	s9 =	spop (v2sf)  }
0x175: {  	(v2sf) =	vpush v33, $0xD;
	[smem:$0x95] =	sst s9;
	s10 =	spop (v2sf)  }
0x176: {  	(v2sf) =	vpush v30, $0xD;
	[smem:$0x16] =	sst s10;
	s11 =	spop (v2sf)  }
0x177: {  	(v2sf) =	vpush v33, $0xE;
	[smem:$0x96] =	sst s11;
	s12 =	spop (v2sf)  }
0x178: {  	(v2sf) =	vpush v30, $0xE;
	[smem:$0x17] =	sst s12;
	s13 =	spop (v2sf)  }
0x179: {  	(v2sf) =	vpush v33, $0xF;
	[smem:$0x97] =	sst s13;
	s14 =	spop (v2sf)  }
0x17a: {  	(v2sf) =	vpush v30, $0xF;
	s15 =	spop (v2sf);
	[smem:$0x18] =	sst s14  }
0x17b: {  	[smem:$0x98] =	sst s15  }
0x17c: {  	s16 =	spop (v2sf);
	s15 =	rddreg [dreg:$0x17]  }
0x17d: {  	s17 =	spop (v2sf);
	[smem:$0x19] =	sst s16  }
0x17e: {  	s18 =	spop (v2sf);
	[smem:$0x99] =	sst s17  }
0x17f: {  	s19 =	spop (v2sf);
	[smem:$0x1A] =	sst s18  }
0x180: {  	s20 =	spop (v2sf);
	[smem:$0x9A] =	sst s19  }
0x181: {  	s21 =	spop (v2sf);
	[smem:$0x1B] =	sst s20  }
0x182: {  	s22 =	spop (v2sf);
	[smem:$0x9B] =	sst s21  }
0x183: {  	s23 =	spop (v2sf);
	[smem:$0x1C] =	sst s22  }
0x184: {  	s24 =	spop (v2sf);
	[smem:$0x9C] =	sst s23  }
0x185: {  	s25 =	spop (v2sf);
	[smem:$0x1D] =	sst s24  }
0x186: {  	s26 =	spop (v2sf);
	[smem:$0x9D] =	sst s25  }
0x187: {  	s1 =	sshra.s32 s31, $0x2;
	s28 =	spop (v2sf);
	[smem:$0x1E] =	sst s26  }
0x188: {  	s3 =	simm.s32 $0x0;
	s29 =	spop (v2sf);
	[smem:$0x9E] =	sst s28  }
0x189: {  	s4 =	simm.s32 $0x0;
	[smem:$0x1F] =	sst s29;
	s30 =	spop (v2sf)  }
0x18a: {  	s5 =	simm.s32 $0x0;
	s0 =	sadd.s32 s1, s15;
	[smem:$0x9F] =	sst s30  }
.LBB2_9:
0x18b: {  	s1 =	sshll.u32 s4, $0x2;
	s2 =	sand.u32 $0x7, s3  }
0x18c: {  	s1 =	sand.u32 $0xFFFFF000, s1;
	s2 =	sshll.u32 s2, $0x6  }
0x18d: {  	s26 =	sshll.u32 s5, $0x4;
	s1 =	sor.u32 s2, s1  }
0x18e: {  	v31 =	vld [tilespmem:s26+$0x1E800];
	s1 =	sshrl.u32 s1, $0x2  }
0x18f: {  	v30 =	vld [tilespmem:s26+$0x1EB00];
	s6 =	sadd.s32 s1, s0  }
0x190: {  	v32 =	vld [tilespmem:s6+$0x380]  }
0x191: {  	v33 =	vld [tilespmem:s6+$0x80]  }
0x192: {  	v34 =	vld [tilespmem:s6+$0x100];
	s28 =	sld [smem:$0x7]  }
0x193: {  	s29 =	sld [smem:$0x0];
	v35 =	vld [tilespmem:s6+$0x180]  }
0x194: {  	v37 =	vld [tilespmem:s6+$0x200];
	s7 =	sld [smem:$0x87]  }
0x195: {  	s8 =	sld [smem:$0x1];
	v38 =	vld [tilespmem:s6+$0x280];
	v32 =	vmul.f32 s28, v32  }
0x196: {  	s9 =	sld [smem:$0x2];
	v39 =	vld [tilespmem:s6+$0x300]  }
0x197: {  	v40 =	vld [tilespmem:s6+$0x0];
	s30 =	sld [smem:$0x3];
	v32 =	vadd.f32 s7, v32  }
0x198: {  	s31 =	sld [smem:$0x4]  }
0x199: {  	s10 =	sld [smem:$0x5];
	v32 =	vmul.f32 v32, v31  }
0x19a: {  	s12 =	sld [smem:$0x6]  }
0x19b: {  	s13 =	sld [smem:$0x80];
	v32 =	vadd.f32 v32, v30  }
0x19c: {  	v40 =	vmul.f32 s29, v40;
	s14 =	sld [smem:$0x81]  }
0x19d: {  	v41 =	vmul.f32 s8, v33;
	v36 =	vmul.f32 s9, v34;
	s9 =	sld [smem:$0x82];
	[tilespmem:s6+$0x380] =	vst v32  }
0x19e: {  	s2 =	simm.s32 $0x4;
	s1 =	simm.s32 $0x84;
	v35 =	vmul.f32 s30, v35;
	v33 =	vmul.f32 s10, v38;
	v38 =	vadd.f32 s13, v40;
	s11 =	sld [smem:$0x83]  }
0x19f: {  	s8 =	sadd.s32 $0x1800, s6;
	s7 =	simm.s32 $0x0;
	v34 =	vmul.f32 s31, v37;
	v32 =	vmul.f32 s12, v39;
	v37 =	vadd.f32 s14, v41;
	s10 =	sld [smem:$0x84]  }
.LBB2_10:
0x1a0: {  	v39 =	vld [tilespmem:s8+$0x380];
	s7 =	sadd.s32 $0x8, s7;
	v38 =	vmul.f32 v38, v31;
	v36 =	vadd.f32 s9, v36;
	s9 =	sld [smem:s1+$0x1]  }
0x1a1: {  	s2 =	sadd.s32 $0x8, s2;
	v40 =	vld [tilespmem:s8+$0x80];
	p0 =	slt.u32 s7, $0x18;
	v37 =	vmul.f32 v37, v31;
	v35 =	vadd.f32 s11, v35;
	s11 =	sld [smem:s1+$0x2]  }
0x1a2: {  	v41 =	vld [tilespmem:s8+$0x100];
	s12 =	sld [smem:s2+$0x3];
	v38 =	vadd.f32 v38, v30;
	v36 =	vmul.f32 v36, v31;
	v34 =	vadd.f32 s10, v34  }
0x1a3: {  	s1 =	sadd.s32 $0x8, s1;
	s10 =	sld [smem:s2+$0xFFFFFFFC];
	v42 =	vld [tilespmem:s8+$0x180];
	v37 =	vadd.f32 v37, v30;
	v35 =	vmul.f32 v35, v31;
	v33 =	vadd.f32 s9, v33  }
0x1a4: {  	v43 =	vld [tilespmem:s8+$0x200];
	s9 =	sld [smem:s1+$0x3];
	[tilespmem:s6+$0x0] =	vst v38;
	v36 =	vadd.f32 v36, v30;
	v34 =	vmul.f32 v34, v31;
	v32 =	vadd.f32 s11, v32  }
0x1a5: {  	s11 =	sld [smem:s2+$0xFFFFFFFD];
	v38 =	vld [tilespmem:s8+$0x280];
	v39 =	vmul.f32 s12, v39;
	[tilespmem:s6+$0x80] =	vst v37;
	v35 =	vadd.f32 v35, v30;
	v33 =	vmul.f32 v33, v31  }
0x1a6: {  	s12 =	sld [smem:s2+$0xFFFFFFFE];
	v37 =	vld [tilespmem:s8+$0x300];
	[tilespmem:s6+$0x100] =	vst v36;
	v34 =	vadd.f32 v34, v30;
	v32 =	vmul.f32 v32, v31  }
0x1a7: {  	v44 =	vld [tilespmem:s8+$0x0];
	s13 =	sld [smem:s2+$0xFFFFFFFF];
	v39 =	vadd.f32 s9, v39;
	[tilespmem:s6+$0x180] =	vst v35;
	v33 =	vadd.f32 v33, v30  }
0x1a8: {  	v40 =	vmul.f32 s11, v40;
	s9 =	sld [smem:s2+$0x0];
	[tilespmem:s6+$0x200] =	vst v34;
	v32 =	vadd.f32 v32, v30  }
0x1a9: {  	v36 =	vmul.f32 s12, v41;
	s11 =	sld [smem:s2+$0x1];
	v39 =	vmul.f32 v39, v31;
	[tilespmem:s6+$0x280] =	vst v33  }
0x1aa: {  	v35 =	vmul.f32 s13, v42;
	s12 =	sld [smem:s2+$0x2];
	[tilespmem:s6+$0x300] =	vst v32;
	s6 =	smov.u32 s8  }
.Ltmp3:
0x1ab: {  	s13 =	sld [smem:s1+$0xFFFFFFFC];
	v34 =	vmul.f32 s9, v43;
	v39 =	vadd.f32 v39, v30;
	(pc) =	sbr.rel @p0 .LBB2_10-.Ltmp3, $4  }
0x1ac: {  	v41 =	vmul.f32 s10, v44;
	s10 =	sld [smem:s1+$0xFFFFFFFD];
	v33 =	vmul.f32 s11, v38  }
0x1ad: {  	s9 =	sld [smem:s1+$0xFFFFFFFE];
	v32 =	vmul.f32 s12, v37;
	[tilespmem:s8+$0x380] =	vst v39  }
0x1ae: {  	v38 =	vadd.f32 s13, v41;
	s11 =	sld [smem:s1+$0xFFFFFFFF]  }
0x1af: {  	s8 =	sadd.s32 $0x1800, s8;
	v37 =	vadd.f32 s10, v40;
	s10 =	sld [smem:s1+$0x0]  }
0x1b0: {  	v38 =	vmul.f32 v38, v31;
	v36 =	vadd.f32 s9, v36;
	s2 =	sld [smem:s1+$0x1]  }
0x1b1: {  	s31 =	sld [smem:s1+$0x2];
	v37 =	vmul.f32 v37, v31;
	v35 =	vadd.f32 s11, v35  }
0x1b2: {  	v38 =	vadd.f32 v38, v30;
	v36 =	vmul.f32 v36, v31;
	v34 =	vadd.f32 s10, v34  }
0x1b3: {  	v37 =	vadd.f32 v37, v30;
	v35 =	vmul.f32 v35, v31;
	v33 =	vadd.f32 s2, v33  }
0x1b4: {  	s5 =	sadd.s32 $0x1, s5;
	v32 =	vadd.f32 s31, v32;
	[tilespmem:s6+$0x0] =	vst v38;
	v36 =	vadd.f32 v36, v30;
	v34 =	vmul.f32 v34, v31  }
0x1b5: {  	p0 =	sne.s32 s5, $0x30;
	[tilespmem:s6+$0x80] =	vst v37;
	v35 =	vadd.f32 v35, v30;
	v33 =	vmul.f32 v33, v31  }
.Ltmp4:
0x1b6: {  	v31 =	vmul.f32 v32, v31;
	[tilespmem:s6+$0x100] =	vst v36;
	v34 =	vadd.f32 v34, v30;
	(pc) =	sbr.rel @p0 .LBB2_9-.Ltmp4, $4  }
0x1b7: {  	[tilespmem:s6+$0x180] =	vst v35;
	v63 =	vadd.f32 v33, v30  }
0x1b8: {  	v30 =	vadd.f32 v31, v30;
	[tilespmem:s6+$0x200] =	vst v34  }
0x1b9: {  	[tilespmem:s6+$0x280] =	vst v63  }
0x1ba: {  	s4 =	sadd.s32 $0x80, s4;
	s3 =	sadd.s32 $0x1, s3;
	[tilespmem:s6+$0x300] =	vst v30  }
0x1bb: {  	s0 =	rddreg [dreg:$0x1b]  }
0x1bc: {  	s0 =	sshrl.u32 s0, $0x3  }
0x1bd: {  	s1 =	rddreg [dreg:$0x18];
	s0 =	smul.u32 $0x300, s0  }
0x1be: {  	s2 =	rddreg [dreg:$0x5];
	s31 =	simm.s32 $0x0  }
0x1bf: {  	s3 =	rddreg [dreg:$0x1a];
	s1 =	sadd.s32 $0x6, s1;
	s0 =	sadd.s32 s2, s0  }
0x1c0: {  	[hbm4b:s0+s31] =	stream.linear.scatter [tilespmem:s3], [sflag:s1], $0x6000, $0x38;
	[tilespmem:$0x1EE00] =	vst v63  }
0x1c1: {  	s0 =	rddreg [dreg:$0x19]  }
0x1c2: {  	p0 =	sne.s32 s0, $0x20  }
.Ltmp5:
0x1c3: {  	_ = 	snop;
	(pc) =	sbr.rel @p0 .LBB2_2-.Ltmp5, $2  }
0x1c4: {  	_ =	sdelay $0x2  }
0x1c5: {  	s15 =	sadd.s32 $0x6000, s15  }
0x1c6: {  	s0 =	simm.s32 $0x6  }
0x1c7: {  	_ =	swait.ge [sflag:s0], $0x6000  }
0x1c8: {  	[sflag:s0] =	ssyncset.done $0x0  }
0x1c9: {  	s30 =	simm.s32 $0x7;
	[sflag:s0] =	ssyncadd.s32 $0xFFFFA000  }
0x1ca: {  	_ =	swait.ge [sflag:s30], $0x6000  }
0x1cb: {  	[sflag:s30] =	ssyncset.done $0x0  }
0x1cc: {  	s1 =	simm.s32 $0x8;
	[sflag:s30] =	ssyncadd.s32 $0xFFFFA000  }
0x1cd: {  	_ =	swait.ge [sflag:s1], $0x6000  }
0x1ce: {  	s2 =	rddreg [dreg:$0x16]  }
0x1cf: {  	s31 =	rddreg [dreg:$0x15];
	s2 =	sadd.s32 $0x1, s2  }
0x1d0: {  	p0 =	sne.s32 s2, s31  }
.Ltmp6:
0x1d1: {  	_ = 	snop;
	(pc) =	sbr.rel @p0 .LBB2_1-.Ltmp6, $3  }
0x1d2: {  	_ =	sdelay $0x1  }
0x1d3: {  	[sflag:s1] =	ssyncset.done $0x0  }
0x1d4: {  	[sflag:s1] =	ssyncadd.s32 $0xFFFFA000  }
0x1d5: {  	_ =	sfence.sel $0x180000  }
0x1d6: {  	[bflag:$0x0] =	sbarrier.arrive $0xFFFF  }
0x1d7: {  	_ =	strace $0x90000047  }
0x1d8: {  	s0 =	stileid.u32;
	[bflag:$0x2] =	sbarrier.arrive $0xFFFF  }
0x1d9: {  	p0 =	sne.s32 s0, $0x0;
	s0 =	rddreg [dreg:$0x6]  }
0x1da: {  	s0 =	sadd.s32 @!p0 $0x100000, s0  }
0x1db: {  	[sflag:s0] =	ssyncadd.tile.s32 @!p0 $0x1;
	_ =	shalt  }
.Lfunc_end2:
_tile_overlayer_lowered:
.L_overlay_start_2:
0x1dc: {  	(tag) =	ssettag $0x2  }
0x1dd: {  	s0 =	rddreg [dreg:$0x0];
	s2 =	stileid.u32  }
0x1de: {  	s1 =	rddreg [dreg:$0x1];
	p0 =	sne.s32 s2, $0x0  }
0x1df: {  	s3 =	rddreg [dreg:$0x2];
	[bflag:$0x3] =	sbarrier.arrive $0xFFFF;
	s2 =	simm.s32 @!p0 $0x1C0A  }
0x1e0: {  	[timem:s3], [sflag:s2] =	dma.local @!p0 [hbm:s0], s1  }
0x1e1: {  	s0 =	simm.s32 @!p0 $0xA  }
0x1e2: {  	_ =	swait.ge @!p0 [sflag:s0], s1  }
0x1e3: {  	s1 =	ssub.s32 @!p0 $0x0, s1;
	[sflag:s0] =	ssyncset.done @!p0 $0x0  }
0x1e4: {  	[sflag:s0] =	ssyncadd.s32 @!p0 s1  }
0x1e5: {  	[bflag:$0x3] =	sbarrier.arrive $0xFFFF  }
0x1e6: {  	_ =	shalt  }

</sc_bundles>
